<compile_context>
chip_gen: v7x
topology: tpu7x:2x2x1
jax: 0.10.2.dev20260603
libtpu: 0.0.44.dev20260713+nightly
codegen_flags: <defaults>
</compile_context>

<pallas_src>
import functools

import jax
import jax.numpy as jnp
from jax import lax
from jax.experimental import pallas as pl
from jax.experimental.pallas import tpu as pltpu
from jax.experimental.pallas import tpu_sc as plsc

_B = 128
_N = 512
_L = 16
_NC = 2
_NS = 16
_NW = _NC * _NS
_RPW = _B // _NW
_CHUNKS = _N // _L

_mesh = plsc.VectorSubcoreMesh(
    core_axis_name="c", subcore_axis_name="s", num_cores=_NC, num_subcores=_NS
)


@functools.partial(
    pl.kernel,
    out_type=jax.ShapeDtypeStruct((_B, 2, _N), jnp.float32),
    mesh=_mesh,
    scratch_types=[
        pltpu.VMEM((_RPW, _N), jnp.float32),
        pltpu.VMEM((_RPW, 2, _N), jnp.float32),
        pltpu.VMEM((2, _N), jnp.float32),
        pltpu.SemaphoreType.DMA,
        pltpu.SemaphoreType.DMA,
        pltpu.SemaphoreType.DMA,
    ],
    compiler_params=pltpu.CompilerParams(needs_layout_passes=False),
)
def _compact(x_hbm, out_hbm, rows_v, out_v, fix_v, sem_r, sem_v, sem_o):
    wid = lax.axis_index("s") * _NC + lax.axis_index("c")
    base = wid * _RPW
    cp_rows = pltpu.make_async_copy(x_hbm.at[pl.ds(base, _RPW)], rows_v, sem_r)
    cp_vals = pltpu.make_async_copy(
        x_hbm.at[pl.ds(base, _RPW)], out_v.at[:, 1, :], sem_v
    )
    cp_rows.start()
    cp_vals.start()

    iota_f = lax.iota(jnp.int32, _L).astype(jnp.float32)

    def iota_body(c, _):
        sl = pl.ds(c * _L, _L)
        idxf = iota_f + (c * _L).astype(jnp.float32)
        out_v[0, 0, sl] = idxf
        out_v[1, 0, sl] = idxf
        out_v[2, 0, sl] = idxf
        out_v[3, 0, sl] = idxf
        return 0

    lax.fori_loop(0, _CHUNKS, iota_body, 0, unroll=4)

    cp_vals.wait()
    cp_out = pltpu.make_async_copy(out_v, out_hbm.at[pl.ds(base, _RPW)], sem_o)
    cp_out.start()

    cp_rows.wait()

    def det_all_body(c, anyz):
        sl = pl.ds(c * _L, _L)
        z01 = (rows_v[0, sl] == 0.0) | (rows_v[1, sl] == 0.0)
        z23 = (rows_v[2, sl] == 0.0) | (rows_v[3, sl] == 0.0)
        return anyz | z01 | z23

    anyz = lax.fori_loop(
        0, _CHUNKS, det_all_body, jnp.zeros((_L,), jnp.bool_), unroll=4
    )

    @pl.when(jnp.any(anyz))
    def _slow():
        zf = jnp.zeros((_L,), jnp.float32)
        plane0 = jnp.zeros((_L,), jnp.int32)
        plane1 = jnp.ones((_L,), jnp.int32)
        cp_out.wait()

        def row_body(r, _):
            def det_body(c, rz):
                return rz | (rows_v[r, pl.ds(c * _L, _L)] == 0.0)

            rowz = lax.fori_loop(
                0, _CHUNKS, det_body, jnp.zeros((_L,), jnp.bool_), unroll=4
            )

            @pl.when(jnp.any(rowz))
            def _fix():
                def zero_body(c, _):
                    sl = pl.ds(c * _L, _L)
                    fix_v[0, sl] = zf
                    fix_v[1, sl] = zf
                    return 0

                lax.fori_loop(0, _CHUNKS, zero_body, 0, unroll=4)

                def pack_body(c, n_off):
                    sl = pl.ds(c * _L, _L)
                    v = rows_v[r, sl]
                    m = v != 0.0
                    dest = plsc.cumsum(m.astype(jnp.int32)) + n_off
                    idx_f = iota_f + (c * _L).astype(jnp.float32)
                    plsc.store_scatter(fix_v, [plane0, dest], idx_f, mask=m)
                    plsc.store_scatter(fix_v, [plane1, dest], v, mask=m)
                    return n_off + plsc.all_reduce_population_count(m)

                lax.fori_loop(
                    0, _CHUNKS, pack_body, jnp.full((_L,), -1, jnp.int32)
                )
                pltpu.sync_copy(fix_v, out_hbm.at[base + r])

            return 0

        lax.fori_loop(0, _RPW, row_body, 0)

    @pl.when(jnp.logical_not(jnp.any(anyz)))
    def _fast():
        cp_out.wait()


def kernel(mlm_logits):
    return _compact(mlm_logits)

# --- scband reference (transcript-rebuilt; emitter-appended) ---
"""Pipeline reference for scband-sparese-results-40166534152891 (READ-ONLY COPY).

The authoritative reference and input builder live on the scoring server;
editing this copy changes nothing except your own understanding.
"""

import jax, jax.numpy as jnp
import numpy as np


def setup_inputs(seed: int = 0) -> dict:
    key = jax.random.key(seed)
    mlm_logits = jax.random.normal(key, (128, 512), dtype=jnp.float32)
    return {"mlm_logits": mlm_logits}


def reference(mlm_logits):
    batch_size = mlm_logits.shape[0]
    num_cols = mlm_logits.shape[1]
    nonzero_mask = mlm_logits != 0
    order = jnp.argsort(~nonzero_mask, axis=1, stable=True)
    n_per_row = jnp.sum(nonzero_mask, axis=1, keepdims=True)
    valid = jnp.arange(num_cols)[None, :] < n_per_row
    indices = jnp.where(valid, order.astype(jnp.float32), 0.0)
    gathered = jnp.take_along_axis(mlm_logits, order, axis=1)
    values = jnp.where(valid, gathered.astype(jnp.float32), 0.0)
    results = jnp.stack((indices, values), axis=1).astype(jnp.float32)
    return results

if __name__ == "__main__":
    import jax
    _d = setup_inputs()
    print(jax.jit(kernel)(*tuple(_d.values())))

</pallas_src>

<mosaic_0001>
#map = affine_map<(d0, d1) -> (0, 0)>
#map1 = affine_map<(d0, d1) -> (0, 0, 0)>
module attributes {stable_mosaic.version = 14 : i64} {
  func.func @_compact(%arg0: i32, %arg1: i32, %arg2: memref<128x512xf32, #tpu.memory_space<hbm>>, %arg3: memref<128x2x512xf32, #tpu.memory_space<hbm>>, %arg4: memref<4x512xf32, #tpu.memory_space<vmem>>, %arg5: memref<4x2x512xf32, #tpu.memory_space<vmem>>, %arg6: memref<2x512xf32, #tpu.memory_space<vmem>>, %arg7: memref<!tpu.dma_semaphore, #tpu.memory_space<semaphore_mem>>, %arg8: memref<!tpu.dma_semaphore, #tpu.memory_space<semaphore_mem>>, %arg9: memref<!tpu.dma_semaphore, #tpu.memory_space<semaphore_mem>>) attributes {dimension_semantics = [#tpu.dimension_semantics<core_parallel>, #tpu.dimension_semantics<subcore_parallel>], iteration_bounds = array<i64: 2, 16>, scalar_prefetch = 0 : i64, scratch_operands = 6 : i64, tpu.core_type = #tpu.core_type<sc_vector_subcore>, window_params = [{transform_indices = #map}, {transform_indices = #map1}]} {
    %mul3A = arith.constant 2 : i32
    %mul3A_0 = arith.muli %arg1, %mul3A : i32
    %add3A = arith.addi %mul3A_0, %arg0 : i32
    %mul3A_1 = arith.constant 4 : i32
    %mul3A_2 = arith.muli %add3A, %mul3A_1 : i32
    %dma_start3A = arith.constant 0 : i32
    %dma_start3A_3 = tpu.memref_slice %arg2[%mul3A_2, %dma_start3A] : memref<128x512xf32, #tpu.memory_space<hbm>> -> memref<4x512xf32, #tpu.memory_space<hbm>>
    %dma_start3A_4 = arith.constant 0 : i32
    %dma_start3A_5 = tpu.memref_slice %arg2[%mul3A_2, %dma_start3A_4] : memref<128x512xf32, #tpu.memory_space<hbm>> -> memref<4x512xf32, #tpu.memory_space<hbm>>
    tpu.enqueue_dma source(%dma_start3A_5 : memref<4x512xf32, #tpu.memory_space<hbm>>) target(%arg4 : memref<4x512xf32, #tpu.memory_space<vmem>>) target_semaphore(%arg7 : memref<!tpu.dma_semaphore, #tpu.memory_space<semaphore_mem>>)
    %dma_start3A_6 = arith.constant 1 : i32
    %dma_start3A_7 = arith.constant 0 : i32
    %dma_start3A_8 = arith.constant 0 : i32
    %dma_start3A_9 = tpu.memref_slice %arg5[%dma_start3A_7, %dma_start3A_6, %dma_start3A_8] : memref<4x2x512xf32, #tpu.memory_space<vmem>> -> memref<4x1x512xf32, #tpu.memory_space<vmem>>
    %dma_start3A_10 = tpu.memref_squeeze %dma_start3A_9 : memref<4x1x512xf32, #tpu.memory_space<vmem>> -> memref<4x512xf32, #tpu.memory_space<vmem>>
    %dma_start3A_11 = arith.constant 0 : i32
    %dma_start3A_12 = tpu.memref_slice %arg2[%mul3A_2, %dma_start3A_11] : memref<128x512xf32, #tpu.memory_space<hbm>> -> memref<4x512xf32, #tpu.memory_space<hbm>>
    %dma_start3A_13 = arith.constant 0 : i32
    %dma_start3A_14 = arith.constant 0 : i32
    %dma_start3A_15 = tpu.memref_slice %arg5[%dma_start3A_13, %dma_start3A_6, %dma_start3A_14] : memref<4x2x512xf32, #tpu.memory_space<vmem>> -> memref<4x1x512xf32, #tpu.memory_space<vmem>>
    %dma_start3A_16 = tpu.memref_squeeze %dma_start3A_15 : memref<4x1x512xf32, #tpu.memory_space<vmem>> -> memref<4x512xf32, #tpu.memory_space<vmem>>
    %dma_start3A_17 = arith.constant 0 : i32
    %dma_start3A_18 = tpu.memref_slice %arg2[%mul3A_2, %dma_start3A_17] : memref<128x512xf32, #tpu.memory_space<hbm>> -> memref<4x512xf32, #tpu.memory_space<hbm>>
    tpu.enqueue_dma source(%dma_start3A_18 : memref<4x512xf32, #tpu.memory_space<hbm>>) target(%dma_start3A_16 : memref<4x512xf32, #tpu.memory_space<vmem>>) target_semaphore(%arg8 : memref<!tpu.dma_semaphore, #tpu.memory_space<semaphore_mem>>)
    %iota3A = tpu.iota {dimensions = array<i32: 0>} : vector<16xi32>
    %convert_element_type3A = arith.sitofp %iota3A : vector<16xi32> to vector<16xf32>
    %scan3A = arith.constant 0 : i32
    %scan3A_19 = arith.constant 0 : i32
    %scan3A_20 = arith.constant 32 : i32
    %scan3A_21 = arith.addi %scan3A_19, %scan3A_20 : i32
    %scan3A_22 = arith.constant 4 : i32
    %scan3A_23 = scf.for %scan3A_81 = %scan3A_19 to %scan3A_21 step %scan3A_22 iter_args(%scan3A_82 = %scan3A) -> (i32)  : i32 {
      %mul3A_83 = arith.constant 16 : i32
      %mul3A_84 = arith.muli %scan3A_81, %mul3A_83 : i32
      %mul3A_85 = arith.constant 16 : i32
      %mul3A_86 = arith.muli %scan3A_81, %mul3A_85 : i32
      %convert_element_type3A_87 = arith.sitofp %mul3A_86 : i32 to f32
      %add3A_88 = vector.broadcast %convert_element_type3A_87 : f32 to vector<16xf32>
      %add3A_89 = arith.addf %convert_element_type3A, %add3A_88 : vector<16xf32>
      %swap3A = arith.constant 0 : i32
      %swap3A_90 = arith.constant 0 : i32
      %swap3A_91 = arith.index_cast %swap3A : i32 to index
      %swap3A_92 = arith.index_cast %swap3A_90 : i32 to index
      %swap3A_93 = arith.index_cast %mul3A_84 : i32 to index
      %swap3A_94 = tpu.vector_load %arg5[%swap3A_91, %swap3A_92, %swap3A_93] {strides = array<i32>} : memref<4x2x512xf32, #tpu.memory_space<vmem>>, vector<16xf32>,
      tpu.vector_store %arg5[%swap3A_91, %swap3A_92, %swap3A_93], %add3A_89 {strides = array<i32>} : memref<4x2x512xf32, #tpu.memory_space<vmem>>, vector<16xf32>,
      %swap3A_95 = arith.constant 1 : i32
      %swap3A_96 = arith.constant 0 : i32
      %swap3A_97 = arith.index_cast %swap3A_95 : i32 to index
      %swap3A_98 = arith.index_cast %swap3A_96 : i32 to index
      %swap3A_99 = arith.index_cast %mul3A_84 : i32 to index
      %swap3A_100 = tpu.vector_load %arg5[%swap3A_97, %swap3A_98, %swap3A_99] {strides = array<i32>} : memref<4x2x512xf32, #tpu.memory_space<vmem>>, vector<16xf32>,
      tpu.vector_store %arg5[%swap3A_97, %swap3A_98, %swap3A_99], %add3A_89 {strides = array<i32>} : memref<4x2x512xf32, #tpu.memory_space<vmem>>, vector<16xf32>,
      %swap3A_101 = arith.constant 2 : i32
      %swap3A_102 = arith.constant 0 : i32
      %swap3A_103 = arith.index_cast %swap3A_101 : i32 to index
      %swap3A_104 = arith.index_cast %swap3A_102 : i32 to index
      %swap3A_105 = arith.index_cast %mul3A_84 : i32 to index
      %swap3A_106 = tpu.vector_load %arg5[%swap3A_103, %swap3A_104, %swap3A_105] {strides = array<i32>} : memref<4x2x512xf32, #tpu.memory_space<vmem>>, vector<16xf32>,
      tpu.vector_store %arg5[%swap3A_103, %swap3A_104, %swap3A_105], %add3A_89 {strides = array<i32>} : memref<4x2x512xf32, #tpu.memory_space<vmem>>, vector<16xf32>,
      %swap3A_107 = arith.constant 3 : i32
      %swap3A_108 = arith.constant 0 : i32
      %swap3A_109 = arith.index_cast %swap3A_107 : i32 to index
      %swap3A_110 = arith.index_cast %swap3A_108 : i32 to index
      %swap3A_111 = arith.index_cast %mul3A_84 : i32 to index
      %swap3A_112 = tpu.vector_load %arg5[%swap3A_109, %swap3A_110, %swap3A_111] {strides = array<i32>} : memref<4x2x512xf32, #tpu.memory_space<vmem>>, vector<16xf32>,
      tpu.vector_store %arg5[%swap3A_109, %swap3A_110, %swap3A_111], %add3A_89 {strides = array<i32>} : memref<4x2x512xf32, #tpu.memory_space<vmem>>, vector<16xf32>,
      %scan3A_113 = arith.constant 0 : i32
      %scan3A_114 = arith.constant 1 : i32
      %scan3A_115 = arith.addi %scan3A_81, %scan3A_114 : i32
      %mul3A_116 = arith.constant 16 : i32
      %mul3A_117 = arith.muli %scan3A_115, %mul3A_116 : i32
      %mul3A_118 = arith.constant 16 : i32
      %mul3A_119 = arith.muli %scan3A_115, %mul3A_118 : i32
      %convert_element_type3A_120 = arith.sitofp %mul3A_119 : i32 to f32
      %add3A_121 = vector.broadcast %convert_element_type3A_120 : f32 to vector<16xf32>
      %add3A_122 = arith.addf %convert_element_type3A, %add3A_121 : vector<16xf32>
      %swap3A_123 = arith.constant 0 : i32
      %swap3A_124 = arith.constant 0 : i32
      %swap3A_125 = arith.index_cast %swap3A_123 : i32 to index
      %swap3A_126 = arith.index_cast %swap3A_124 : i32 to index
      %swap3A_127 = arith.index_cast %mul3A_117 : i32 to index
      %swap3A_128 = tpu.vector_load %arg5[%swap3A_125, %swap3A_126, %swap3A_127] {strides = array<i32>} : memref<4x2x512xf32, #tpu.memory_space<vmem>>, vector<16xf32>,
      tpu.vector_store %arg5[%swap3A_125, %swap3A_126, %swap3A_127], %add3A_122 {strides = array<i32>} : memref<4x2x512xf32, #tpu.memory_space<vmem>>, vector<16xf32>,
      %swap3A_129 = arith.constant 1 : i32
      %swap3A_130 = arith.constant 0 : i32
      %swap3A_131 = arith.index_cast %swap3A_129 : i32 to index
      %swap3A_132 = arith.index_cast %swap3A_130 : i32 to index
      %swap3A_133 = arith.index_cast %mul3A_117 : i32 to index
      %swap3A_134 = tpu.vector_load %arg5[%swap3A_131, %swap3A_132, %swap3A_133] {strides = array<i32>} : memref<4x2x512xf32, #tpu.memory_space<vmem>>, vector<16xf32>,
      tpu.vector_store %arg5[%swap3A_131, %swap3A_132, %swap3A_133], %add3A_122 {strides = array<i32>} : memref<4x2x512xf32, #tpu.memory_space<vmem>>, vector<16xf32>,
      %swap3A_135 = arith.constant 2 : i32
      %swap3A_136 = arith.constant 0 : i32
      %swap3A_137 = arith.index_cast %swap3A_135 : i32 to index
      %swap3A_138 = arith.index_cast %swap3A_136 : i32 to index
      %swap3A_139 = arith.index_cast %mul3A_117 : i32 to index
      %swap3A_140 = tpu.vector_load %arg5[%swap3A_137, %swap3A_138, %swap3A_139] {strides = array<i32>} : memref<4x2x512xf32, #tpu.memory_space<vmem>>, vector<16xf32>,
      tpu.vector_store %arg5[%swap3A_137, %swap3A_138, %swap3A_139], %add3A_122 {strides = array<i32>} : memref<4x2x512xf32, #tpu.memory_space<vmem>>, vector<16xf32>,
      %swap3A_141 = arith.constant 3 : i32
      %swap3A_142 = arith.constant 0 : i32
      %swap3A_143 = arith.index_cast %swap3A_141 : i32 to index
      %swap3A_144 = arith.index_cast %swap3A_142 : i32 to index
      %swap3A_145 = arith.index_cast %mul3A_117 : i32 to index
      %swap3A_146 = tpu.vector_load %arg5[%swap3A_143, %swap3A_144, %swap3A_145] {strides = array<i32>} : memref<4x2x512xf32, #tpu.memory_space<vmem>>, vector<16xf32>,
      tpu.vector_store %arg5[%swap3A_143, %swap3A_144, %swap3A_145], %add3A_122 {strides = array<i32>} : memref<4x2x512xf32, #tpu.memory_space<vmem>>, vector<16xf32>,
      %scan3A_147 = arith.constant 0 : i32
      %scan3A_148 = arith.constant 2 : i32
      %scan3A_149 = arith.addi %scan3A_81, %scan3A_148 : i32
      %mul3A_150 = arith.constant 16 : i32
      %mul3A_151 = arith.muli %scan3A_149, %mul3A_150 : i32
      %mul3A_152 = arith.constant 16 : i32
      %mul3A_153 = arith.muli %scan3A_149, %mul3A_152 : i32
      %convert_element_type3A_154 = arith.sitofp %mul3A_153 : i32 to f32
      %add3A_155 = vector.broadcast %convert_element_type3A_154 : f32 to vector<16xf32>
      %add3A_156 = arith.addf %convert_element_type3A, %add3A_155 : vector<16xf32>
      %swap3A_157 = arith.constant 0 : i32
      %swap3A_158 = arith.constant 0 : i32
      %swap3A_159 = arith.index_cast %swap3A_157 : i32 to index
      %swap3A_160 = arith.index_cast %swap3A_158 : i32 to index
      %swap3A_161 = arith.index_cast %mul3A_151 : i32 to index
      %swap3A_162 = tpu.vector_load %arg5[%swap3A_159, %swap3A_160, %swap3A_161] {strides = array<i32>} : memref<4x2x512xf32, #tpu.memory_space<vmem>>, vector<16xf32>,
      tpu.vector_store %arg5[%swap3A_159, %swap3A_160, %swap3A_161], %add3A_156 {strides = array<i32>} : memref<4x2x512xf32, #tpu.memory_space<vmem>>, vector<16xf32>,
      %swap3A_163 = arith.constant 1 : i32
      %swap3A_164 = arith.constant 0 : i32
      %swap3A_165 = arith.index_cast %swap3A_163 : i32 to index
      %swap3A_166 = arith.index_cast %swap3A_164 : i32 to index
      %swap3A_167 = arith.index_cast %mul3A_151 : i32 to index
      %swap3A_168 = tpu.vector_load %arg5[%swap3A_165, %swap3A_166, %swap3A_167] {strides = array<i32>} : memref<4x2x512xf32, #tpu.memory_space<vmem>>, vector<16xf32>,
      tpu.vector_store %arg5[%swap3A_165, %swap3A_166, %swap3A_167], %add3A_156 {strides = array<i32>} : memref<4x2x512xf32, #tpu.memory_space<vmem>>, vector<16xf32>,
      %swap3A_169 = arith.constant 2 : i32
      %swap3A_170 = arith.constant 0 : i32
      %swap3A_171 = arith.index_cast %swap3A_169 : i32 to index
      %swap3A_172 = arith.index_cast %swap3A_170 : i32 to index
      %swap3A_173 = arith.index_cast %mul3A_151 : i32 to index
      %swap3A_174 = tpu.vector_load %arg5[%swap3A_171, %swap3A_172, %swap3A_173] {strides = array<i32>} : memref<4x2x512xf32, #tpu.memory_space<vmem>>, vector<16xf32>,
      tpu.vector_store %arg5[%swap3A_171, %swap3A_172, %swap3A_173], %add3A_156 {strides = array<i32>} : memref<4x2x512xf32, #tpu.memory_space<vmem>>, vector<16xf32>,
      %swap3A_175 = arith.constant 3 : i32
      %swap3A_176 = arith.constant 0 : i32
      %swap3A_177 = arith.index_cast %swap3A_175 : i32 to index
      %swap3A_178 = arith.index_cast %swap3A_176 : i32 to index
      %swap3A_179 = arith.index_cast %mul3A_151 : i32 to index
      %swap3A_180 = tpu.vector_load %arg5[%swap3A_177, %swap3A_178, %swap3A_179] {strides = array<i32>} : memref<4x2x512xf32, #tpu.memory_space<vmem>>, vector<16xf32>,
      tpu.vector_store %arg5[%swap3A_177, %swap3A_178, %swap3A_179], %add3A_156 {strides = array<i32>} : memref<4x2x512xf32, #tpu.memory_space<vmem>>, vector<16xf32>,
      %scan3A_181 = arith.constant 0 : i32
      %scan3A_182 = arith.constant 3 : i32
      %scan3A_183 = arith.addi %scan3A_81, %scan3A_182 : i32
      %mul3A_184 = arith.constant 16 : i32
      %mul3A_185 = arith.muli %scan3A_183, %mul3A_184 : i32
      %mul3A_186 = arith.constant 16 : i32
      %mul3A_187 = arith.muli %scan3A_183, %mul3A_186 : i32
      %convert_element_type3A_188 = arith.sitofp %mul3A_187 : i32 to f32
      %add3A_189 = vector.broadcast %convert_element_type3A_188 : f32 to vector<16xf32>
      %add3A_190 = arith.addf %convert_element_type3A, %add3A_189 : vector<16xf32>
      %swap3A_191 = arith.constant 0 : i32
      %swap3A_192 = arith.constant 0 : i32
      %swap3A_193 = arith.index_cast %swap3A_191 : i32 to index
      %swap3A_194 = arith.index_cast %swap3A_192 : i32 to index
      %swap3A_195 = arith.index_cast %mul3A_185 : i32 to index
      %swap3A_196 = tpu.vector_load %arg5[%swap3A_193, %swap3A_194, %swap3A_195] {strides = array<i32>} : memref<4x2x512xf32, #tpu.memory_space<vmem>>, vector<16xf32>,
      tpu.vector_store %arg5[%swap3A_193, %swap3A_194, %swap3A_195], %add3A_190 {strides = array<i32>} : memref<4x2x512xf32, #tpu.memory_space<vmem>>, vector<16xf32>,
      %swap3A_197 = arith.constant 1 : i32
      %swap3A_198 = arith.constant 0 : i32
      %swap3A_199 = arith.index_cast %swap3A_197 : i32 to index
      %swap3A_200 = arith.index_cast %swap3A_198 : i32 to index
      %swap3A_201 = arith.index_cast %mul3A_185 : i32 to index
      %swap3A_202 = tpu.vector_load %arg5[%swap3A_199, %swap3A_200, %swap3A_201] {strides = array<i32>} : memref<4x2x512xf32, #tpu.memory_space<vmem>>, vector<16xf32>,
      tpu.vector_store %arg5[%swap3A_199, %swap3A_200, %swap3A_201], %add3A_190 {strides = array<i32>} : memref<4x2x512xf32, #tpu.memory_space<vmem>>, vector<16xf32>,
      %swap3A_203 = arith.constant 2 : i32
      %swap3A_204 = arith.constant 0 : i32
      %swap3A_205 = arith.index_cast %swap3A_203 : i32 to index
      %swap3A_206 = arith.index_cast %swap3A_204 : i32 to index
      %swap3A_207 = arith.index_cast %mul3A_185 : i32 to index
      %swap3A_208 = tpu.vector_load %arg5[%swap3A_205, %swap3A_206, %swap3A_207] {strides = array<i32>} : memref<4x2x512xf32, #tpu.memory_space<vmem>>, vector<16xf32>,
      tpu.vector_store %arg5[%swap3A_205, %swap3A_206, %swap3A_207], %add3A_190 {strides = array<i32>} : memref<4x2x512xf32, #tpu.memory_space<vmem>>, vector<16xf32>,
      %swap3A_209 = arith.constant 3 : i32
      %swap3A_210 = arith.constant 0 : i32
      %swap3A_211 = arith.index_cast %swap3A_209 : i32 to index
      %swap3A_212 = arith.index_cast %swap3A_210 : i32 to index
      %swap3A_213 = arith.index_cast %mul3A_185 : i32 to index
      %swap3A_214 = tpu.vector_load %arg5[%swap3A_211, %swap3A_212, %swap3A_213] {strides = array<i32>} : memref<4x2x512xf32, #tpu.memory_space<vmem>>, vector<16xf32>,
      tpu.vector_store %arg5[%swap3A_211, %swap3A_212, %swap3A_213], %add3A_190 {strides = array<i32>} : memref<4x2x512xf32, #tpu.memory_space<vmem>>, vector<16xf32>,
      %scan3A_215 = arith.constant 0 : i32
      scf.yield %scan3A_215 : i32
    }
    %scan3A_24 = arith.constant 32 : i32
    %dma_wait3A = arith.constant 1 : i32
    %dma_wait3A_25 = arith.constant 0 : i32
    %dma_wait3A_26 = arith.constant 0 : i32
    %dma_wait3A_27 = tpu.memref_slice %arg5[%dma_wait3A_25, %dma_wait3A, %dma_wait3A_26] : memref<4x2x512xf32, #tpu.memory_space<vmem>> -> memref<4x1x512xf32, #tpu.memory_space<vmem>>
    %dma_wait3A_28 = tpu.memref_squeeze %dma_wait3A_27 : memref<4x1x512xf32, #tpu.memory_space<vmem>> -> memref<4x512xf32, #tpu.memory_space<vmem>>
    %dma_wait3A_29 = arith.constant 0 : i32
    %dma_wait3A_30 = tpu.memref_slice %arg2[%mul3A_2, %dma_wait3A_29] : memref<128x512xf32, #tpu.memory_space<hbm>> -> memref<4x512xf32, #tpu.memory_space<hbm>>
    %dma_wait3A_31 = arith.constant 0 : i32
    %dma_wait3A_32 = arith.constant 0 : i32
    %dma_wait3A_33 = tpu.memref_slice %arg5[%dma_wait3A_31, %dma_wait3A, %dma_wait3A_32] : memref<4x2x512xf32, #tpu.memory_space<vmem>> -> memref<4x1x512xf32, #tpu.memory_space<vmem>>
    %dma_wait3A_34 = tpu.memref_squeeze %dma_wait3A_33 : memref<4x1x512xf32, #tpu.memory_space<vmem>> -> memref<4x512xf32, #tpu.memory_space<vmem>>
    %dma_wait3A_35 = arith.constant 0 : i32
    %dma_wait3A_36 = tpu.memref_slice %arg2[%mul3A_2, %dma_wait3A_35] : memref<128x512xf32, #tpu.memory_space<hbm>> -> memref<4x512xf32, #tpu.memory_space<hbm>>
    tpu.wait_dma2 semaphore(%arg8 : memref<!tpu.dma_semaphore, #tpu.memory_space<semaphore_mem>>) src(%dma_wait3A_36 : memref<4x512xf32, #tpu.memory_space<hbm>>) dst(%dma_wait3A_34 : memref<4x512xf32, #tpu.memory_space<vmem>>)
    %dma_start3A_37 = arith.constant 0 : i32
    %dma_start3A_38 = arith.constant 0 : i32
    %dma_start3A_39 = tpu.memref_slice %arg3[%mul3A_2, %dma_start3A_37, %dma_start3A_38] : memref<128x2x512xf32, #tpu.memory_space<hbm>> -> memref<4x2x512xf32, #tpu.memory_space<hbm>>
    %dma_start3A_40 = arith.constant 0 : i32
    %dma_start3A_41 = arith.constant 0 : i32
    %dma_start3A_42 = tpu.memref_slice %arg3[%mul3A_2, %dma_start3A_40, %dma_start3A_41] : memref<128x2x512xf32, #tpu.memory_space<hbm>> -> memref<4x2x512xf32, #tpu.memory_space<hbm>>
    tpu.enqueue_dma source(%arg5 : memref<4x2x512xf32, #tpu.memory_space<vmem>>) target(%dma_start3A_42 : memref<4x2x512xf32, #tpu.memory_space<hbm>>) target_semaphore(%arg9 : memref<!tpu.dma_semaphore, #tpu.memory_space<semaphore_mem>>)
    %dma_wait3A_43 = arith.constant 0 : i32
    %dma_wait3A_44 = tpu.memref_slice %arg2[%mul3A_2, %dma_wait3A_43] : memref<128x512xf32, #tpu.memory_space<hbm>> -> memref<4x512xf32, #tpu.memory_space<hbm>>
    %dma_wait3A_45 = arith.constant 0 : i32
    %dma_wait3A_46 = tpu.memref_slice %arg2[%mul3A_2, %dma_wait3A_45] : memref<128x512xf32, #tpu.memory_space<hbm>> -> memref<4x512xf32, #tpu.memory_space<hbm>>
    tpu.wait_dma2 semaphore(%arg7 : memref<!tpu.dma_semaphore, #tpu.memory_space<semaphore_mem>>) src(%dma_wait3A_46 : memref<4x512xf32, #tpu.memory_space<hbm>>) dst(%arg4 : memref<4x512xf32, #tpu.memory_space<vmem>>)
    %broadcast_in_dim3A = arith.constant false
    %broadcast_in_dim3A_47 = vector.broadcast %broadcast_in_dim3A : i1 to vector<16xi1>
    %scan3A_48 = arith.constant 0 : i32
    %scan3A_49 = arith.constant 32 : i32
    %scan3A_50 = arith.addi %scan3A_48, %scan3A_49 : i32
    %scan3A_51 = arith.constant 4 : i32
    %scan3A_52 = scf.for %scan3A_81 = %scan3A_48 to %scan3A_50 step %scan3A_51 iter_args(%scan3A_82 = %broadcast_in_dim3A_47) -> (vector<16xi1>)  : i32 {
      %mul3A_83 = arith.constant 16 : i32
      %mul3A_84 = arith.muli %scan3A_81, %mul3A_83 : i32
      %get3A = arith.constant 0 : i32
      %get3A_85 = arith.index_cast %get3A : i32 to index
      %get3A_86 = arith.index_cast %mul3A_84 : i32 to index
      %get3A_87 = tpu.vector_load %arg4[%get3A_85, %get3A_86] {strides = array<i32>} : memref<4x512xf32, #tpu.memory_space<vmem>>, vector<16xf32>,
      %eq3A = arith.constant 0.000000e+00 : f32
      %eq3A_88 = vector.broadcast %eq3A : f32 to vector<16xf32>
      %eq3A_89 = arith.cmpf oeq, %get3A_87, %eq3A_88 : vector<16xf32>
      %get3A_90 = arith.constant 1 : i32
      %get3A_91 = arith.index_cast %get3A_90 : i32 to index
      %get3A_92 = arith.index_cast %mul3A_84 : i32 to index
      %get3A_93 = tpu.vector_load %arg4[%get3A_91, %get3A_92] {strides = array<i32>} : memref<4x512xf32, #tpu.memory_space<vmem>>, vector<16xf32>,
      %eq3A_94 = arith.constant 0.000000e+00 : f32
      %eq3A_95 = vector.broadcast %eq3A_94 : f32 to vector<16xf32>
      %eq3A_96 = arith.cmpf oeq, %get3A_93, %eq3A_95 : vector<16xf32>
      %or3A = arith.ori %eq3A_89, %eq3A_96 : vector<16xi1>
      %get3A_97 = arith.constant 2 : i32
      %get3A_98 = arith.index_cast %get3A_97 : i32 to index
      %get3A_99 = arith.index_cast %mul3A_84 : i32 to index
      %get3A_100 = tpu.vector_load %arg4[%get3A_98, %get3A_99] {strides = array<i32>} : memref<4x512xf32, #tpu.memory_space<vmem>>, vector<16xf32>,
      %eq3A_101 = arith.constant 0.000000e+00 : f32
      %eq3A_102 = vector.broadcast %eq3A_101 : f32 to vector<16xf32>
      %eq3A_103 = arith.cmpf oeq, %get3A_100, %eq3A_102 : vector<16xf32>
      %get3A_104 = arith.constant 3 : i32
      %get3A_105 = arith.index_cast %get3A_104 : i32 to index
      %get3A_106 = arith.index_cast %mul3A_84 : i32 to index
      %get3A_107 = tpu.vector_load %arg4[%get3A_105, %get3A_106] {strides = array<i32>} : memref<4x512xf32, #tpu.memory_space<vmem>>, vector<16xf32>,
      %eq3A_108 = arith.constant 0.000000e+00 : f32
      %eq3A_109 = vector.broadcast %eq3A_108 : f32 to vector<16xf32>
      %eq3A_110 = arith.cmpf oeq, %get3A_107, %eq3A_109 : vector<16xf32>
      %or3A_111 = arith.ori %eq3A_103, %eq3A_110 : vector<16xi1>
      %or3A_112 = arith.ori %scan3A_82, %or3A : vector<16xi1>
      %or3A_113 = arith.ori %or3A_112, %or3A_111 : vector<16xi1>
      %scan3A_114 = arith.constant 1 : i32
      %scan3A_115 = arith.addi %scan3A_81, %scan3A_114 : i32
      %mul3A_116 = arith.constant 16 : i32
      %mul3A_117 = arith.muli %scan3A_115, %mul3A_116 : i32
      %get3A_118 = arith.constant 0 : i32
      %get3A_119 = arith.index_cast %get3A_118 : i32 to index
      %get3A_120 = arith.index_cast %mul3A_117 : i32 to index
      %get3A_121 = tpu.vector_load %arg4[%get3A_119, %get3A_120] {strides = array<i32>} : memref<4x512xf32, #tpu.memory_space<vmem>>, vector<16xf32>,
      %eq3A_122 = arith.constant 0.000000e+00 : f32
      %eq3A_123 = vector.broadcast %eq3A_122 : f32 to vector<16xf32>
      %eq3A_124 = arith.cmpf oeq, %get3A_121, %eq3A_123 : vector<16xf32>
      %get3A_125 = arith.constant 1 : i32
      %get3A_126 = arith.index_cast %get3A_125 : i32 to index
      %get3A_127 = arith.index_cast %mul3A_117 : i32 to index
      %get3A_128 = tpu.vector_load %arg4[%get3A_126, %get3A_127] {strides = array<i32>} : memref<4x512xf32, #tpu.memory_space<vmem>>, vector<16xf32>,
      %eq3A_129 = arith.constant 0.000000e+00 : f32
      %eq3A_130 = vector.broadcast %eq3A_129 : f32 to vector<16xf32>
      %eq3A_131 = arith.cmpf oeq, %get3A_128, %eq3A_130 : vector<16xf32>
      %or3A_132 = arith.ori %eq3A_124, %eq3A_131 : vector<16xi1>
      %get3A_133 = arith.constant 2 : i32
      %get3A_134 = arith.index_cast %get3A_133 : i32 to index
      %get3A_135 = arith.index_cast %mul3A_117 : i32 to index
      %get3A_136 = tpu.vector_load %arg4[%get3A_134, %get3A_135] {strides = array<i32>} : memref<4x512xf32, #tpu.memory_space<vmem>>, vector<16xf32>,
      %eq3A_137 = arith.constant 0.000000e+00 : f32
      %eq3A_138 = vector.broadcast %eq3A_137 : f32 to vector<16xf32>
      %eq3A_139 = arith.cmpf oeq, %get3A_136, %eq3A_138 : vector<16xf32>
      %get3A_140 = arith.constant 3 : i32
      %get3A_141 = arith.index_cast %get3A_140 : i32 to index
      %get3A_142 = arith.index_cast %mul3A_117 : i32 to index
      %get3A_143 = tpu.vector_load %arg4[%get3A_141, %get3A_142] {strides = array<i32>} : memref<4x512xf32, #tpu.memory_space<vmem>>, vector<16xf32>,
      %eq3A_144 = arith.constant 0.000000e+00 : f32
      %eq3A_145 = vector.broadcast %eq3A_144 : f32 to vector<16xf32>
      %eq3A_146 = arith.cmpf oeq, %get3A_143, %eq3A_145 : vector<16xf32>
      %or3A_147 = arith.ori %eq3A_139, %eq3A_146 : vector<16xi1>
      %or3A_148 = arith.ori %or3A_113, %or3A_132 : vector<16xi1>
      %or3A_149 = arith.ori %or3A_148, %or3A_147 : vector<16xi1>
      %scan3A_150 = arith.constant 2 : i32
      %scan3A_151 = arith.addi %scan3A_81, %scan3A_150 : i32
      %mul3A_152 = arith.constant 16 : i32
      %mul3A_153 = arith.muli %scan3A_151, %mul3A_152 : i32
      %get3A_154 = arith.constant 0 : i32
      %get3A_155 = arith.index_cast %get3A_154 : i32 to index
      %get3A_156 = arith.index_cast %mul3A_153 : i32 to index
      %get3A_157 = tpu.vector_load %arg4[%get3A_155, %get3A_156] {strides = array<i32>} : memref<4x512xf32, #tpu.memory_space<vmem>>, vector<16xf32>,
      %eq3A_158 = arith.constant 0.000000e+00 : f32
      %eq3A_159 = vector.broadcast %eq3A_158 : f32 to vector<16xf32>
      %eq3A_160 = arith.cmpf oeq, %get3A_157, %eq3A_159 : vector<16xf32>
      %get3A_161 = arith.constant 1 : i32
      %get3A_162 = arith.index_cast %get3A_161 : i32 to index
      %get3A_163 = arith.index_cast %mul3A_153 : i32 to index
      %get3A_164 = tpu.vector_load %arg4[%get3A_162, %get3A_163] {strides = array<i32>} : memref<4x512xf32, #tpu.memory_space<vmem>>, vector<16xf32>,
      %eq3A_165 = arith.constant 0.000000e+00 : f32
      %eq3A_166 = vector.broadcast %eq3A_165 : f32 to vector<16xf32>
      %eq3A_167 = arith.cmpf oeq, %get3A_164, %eq3A_166 : vector<16xf32>
      %or3A_168 = arith.ori %eq3A_160, %eq3A_167 : vector<16xi1>
      %get3A_169 = arith.constant 2 : i32
      %get3A_170 = arith.index_cast %get3A_169 : i32 to index
      %get3A_171 = arith.index_cast %mul3A_153 : i32 to index
      %get3A_172 = tpu.vector_load %arg4[%get3A_170, %get3A_171] {strides = array<i32>} : memref<4x512xf32, #tpu.memory_space<vmem>>, vector<16xf32>,
      %eq3A_173 = arith.constant 0.000000e+00 : f32
      %eq3A_174 = vector.broadcast %eq3A_173 : f32 to vector<16xf32>
      %eq3A_175 = arith.cmpf oeq, %get3A_172, %eq3A_174 : vector<16xf32>
      %get3A_176 = arith.constant 3 : i32
      %get3A_177 = arith.index_cast %get3A_176 : i32 to index
      %get3A_178 = arith.index_cast %mul3A_153 : i32 to index
      %get3A_179 = tpu.vector_load %arg4[%get3A_177, %get3A_178] {strides = array<i32>} : memref<4x512xf32, #tpu.memory_space<vmem>>, vector<16xf32>,
      %eq3A_180 = arith.constant 0.000000e+00 : f32
      %eq3A_181 = vector.broadcast %eq3A_180 : f32 to vector<16xf32>
      %eq3A_182 = arith.cmpf oeq, %get3A_179, %eq3A_181 : vector<16xf32>
      %or3A_183 = arith.ori %eq3A_175, %eq3A_182 : vector<16xi1>
      %or3A_184 = arith.ori %or3A_149, %or3A_168 : vector<16xi1>
      %or3A_185 = arith.ori %or3A_184, %or3A_183 : vector<16xi1>
      %scan3A_186 = arith.constant 3 : i32
      %scan3A_187 = arith.addi %scan3A_81, %scan3A_186 : i32
      %mul3A_188 = arith.constant 16 : i32
      %mul3A_189 = arith.muli %scan3A_187, %mul3A_188 : i32
      %get3A_190 = arith.constant 0 : i32
      %get3A_191 = arith.index_cast %get3A_190 : i32 to index
      %get3A_192 = arith.index_cast %mul3A_189 : i32 to index
      %get3A_193 = tpu.vector_load %arg4[%get3A_191, %get3A_192] {strides = array<i32>} : memref<4x512xf32, #tpu.memory_space<vmem>>, vector<16xf32>,
      %eq3A_194 = arith.constant 0.000000e+00 : f32
      %eq3A_195 = vector.broadcast %eq3A_194 : f32 to vector<16xf32>
      %eq3A_196 = arith.cmpf oeq, %get3A_193, %eq3A_195 : vector<16xf32>
      %get3A_197 = arith.constant 1 : i32
      %get3A_198 = arith.index_cast %get3A_197 : i32 to index
      %get3A_199 = arith.index_cast %mul3A_189 : i32 to index
      %get3A_200 = tpu.vector_load %arg4[%get3A_198, %get3A_199] {strides = array<i32>} : memref<4x512xf32, #tpu.memory_space<vmem>>, vector<16xf32>,
      %eq3A_201 = arith.constant 0.000000e+00 : f32
      %eq3A_202 = vector.broadcast %eq3A_201 : f32 to vector<16xf32>
      %eq3A_203 = arith.cmpf oeq, %get3A_200, %eq3A_202 : vector<16xf32>
      %or3A_204 = arith.ori %eq3A_196, %eq3A_203 : vector<16xi1>
      %get3A_205 = arith.constant 2 : i32
      %get3A_206 = arith.index_cast %get3A_205 : i32 to index
      %get3A_207 = arith.index_cast %mul3A_189 : i32 to index
      %get3A_208 = tpu.vector_load %arg4[%get3A_206, %get3A_207] {strides = array<i32>} : memref<4x512xf32, #tpu.memory_space<vmem>>, vector<16xf32>,
      %eq3A_209 = arith.constant 0.000000e+00 : f32
      %eq3A_210 = vector.broadcast %eq3A_209 : f32 to vector<16xf32>
      %eq3A_211 = arith.cmpf oeq, %get3A_208, %eq3A_210 : vector<16xf32>
      %get3A_212 = arith.constant 3 : i32
      %get3A_213 = arith.index_cast %get3A_212 : i32 to index
      %get3A_214 = arith.index_cast %mul3A_189 : i32 to index
      %get3A_215 = tpu.vector_load %arg4[%get3A_213, %get3A_214] {strides = array<i32>} : memref<4x512xf32, #tpu.memory_space<vmem>>, vector<16xf32>,
      %eq3A_216 = arith.constant 0.000000e+00 : f32
      %eq3A_217 = vector.broadcast %eq3A_216 : f32 to vector<16xf32>
      %eq3A_218 = arith.cmpf oeq, %get3A_215, %eq3A_217 : vector<16xf32>
      %or3A_219 = arith.ori %eq3A_211, %eq3A_218 : vector<16xi1>
      %or3A_220 = arith.ori %or3A_185, %or3A_204 : vector<16xi1>
      %or3A_221 = arith.ori %or3A_220, %or3A_219 : vector<16xi1>
      scf.yield %or3A_221 : vector<16xi1>
    }
    %scan3A_53 = arith.constant 32 : i32
    %reduce_or3A = arith.constant 1.000000e+00 : f32
    %reduce_or3A_54 = arith.constant 0.000000e+00 : f32
    %reduce_or3A_55 = vector.broadcast %reduce_or3A : f32 to vector<16xf32>
    %reduce_or3A_56 = vector.broadcast %reduce_or3A_54 : f32 to vector<16xf32>
    %reduce_or3A_57 = arith.select %scan3A_52, %reduce_or3A_55, %reduce_or3A_56 : vector<16xi1>, vector<16xf32>
    %reduce_or3A_58 = arith.constant true
    %reduce_or3A_59 = vector.broadcast %reduce_or3A_58 : i1 to vector<16xi1>
    %reduce_or3A_60 = tpu.scan <max>, %reduce_or3A_57 masked %reduce_or3A_59 : vector<16xf32>, vector<16xi1> -> vector<16xf32>
    %reduce_or3A_61 = vector.extract %reduce_or3A_60[15] : f32 from vector<16xf32>
    %reduce_or3A_62 = arith.constant 0.000000e+00 : f32
    %reduce_or3A_63 = arith.cmpf ogt, %reduce_or3A_61, %reduce_or3A_62 : f32
    %convert_element_type3A_64 = arith.extui %reduce_or3A_63 : i1 to i32
    %cond3A = arith.constant 0 : i32
    %cond3A_65 = arith.cmpi ne, %convert_element_type3A_64, %cond3A : i32
    scf.if %cond3A_65 {
      %broadcast_in_dim3A_81 = arith.constant 0.000000e+00 : f32
      %broadcast_in_dim3A_82 = vector.broadcast %broadcast_in_dim3A_81 : f32 to vector<16xf32>
      %broadcast_in_dim3A_83 = arith.constant 0 : i32
      %broadcast_in_dim3A_84 = vector.broadcast %broadcast_in_dim3A_83 : i32 to vector<16xi32>
      %broadcast_in_dim3A_85 = arith.constant 1 : i32
      %broadcast_in_dim3A_86 = vector.broadcast %broadcast_in_dim3A_85 : i32 to vector<16xi32>
      %dma_wait3A_87 = arith.constant 0 : i32
      %dma_wait3A_88 = arith.constant 0 : i32
      %dma_wait3A_89 = tpu.memref_slice %arg3[%mul3A_2, %dma_wait3A_87, %dma_wait3A_88] : memref<128x2x512xf32, #tpu.memory_space<hbm>> -> memref<4x2x512xf32, #tpu.memory_space<hbm>>
      %dma_wait3A_90 = arith.constant 0 : i32
      %dma_wait3A_91 = arith.constant 0 : i32
      %dma_wait3A_92 = tpu.memref_slice %arg3[%mul3A_2, %dma_wait3A_90, %dma_wait3A_91] : memref<128x2x512xf32, #tpu.memory_space<hbm>> -> memref<4x2x512xf32, #tpu.memory_space<hbm>>
      tpu.wait_dma2 semaphore(%arg9 : memref<!tpu.dma_semaphore, #tpu.memory_space<semaphore_mem>>) src(%arg5 : memref<4x2x512xf32, #tpu.memory_space<vmem>>) dst(%dma_wait3A_92 : memref<4x2x512xf32, #tpu.memory_space<hbm>>)
      %scan3A_93 = arith.constant 0 : i32
      %scan3A_94 = arith.constant 0 : i32
      %scan3A_95 = arith.constant 4 : i32
      %scan3A_96 = arith.addi %scan3A_94, %scan3A_95 : i32
      %scan3A_97 = arith.constant 1 : i32
      %scan3A_98 = scf.for %scan3A_100 = %scan3A_94 to %scan3A_96 step %scan3A_97 iter_args(%scan3A_101 = %scan3A_93) -> (i32)  : i32 {
        %broadcast_in_dim3A_102 = arith.constant false
        %broadcast_in_dim3A_103 = vector.broadcast %broadcast_in_dim3A_102 : i1 to vector<16xi1>
        %scan3A_104 = arith.constant 0 : i32
        %scan3A_105 = arith.constant 32 : i32
        %scan3A_106 = arith.addi %scan3A_104, %scan3A_105 : i32
        %scan3A_107 = arith.constant 4 : i32
        %scan3A_108 = scf.for %scan3A_125 = %scan3A_104 to %scan3A_106 step %scan3A_107 iter_args(%scan3A_126 = %broadcast_in_dim3A_103) -> (vector<16xi1>)  : i32 {
          %mul3A_127 = arith.constant 16 : i32
          %mul3A_128 = arith.muli %scan3A_125, %mul3A_127 : i32
          %get3A = arith.index_cast %scan3A_100 : i32 to index
          %get3A_129 = arith.index_cast %mul3A_128 : i32 to index
          %get3A_130 = tpu.vector_load %arg4[%get3A, %get3A_129] {strides = array<i32>} : memref<4x512xf32, #tpu.memory_space<vmem>>, vector<16xf32>,
          %eq3A = arith.constant 0.000000e+00 : f32
          %eq3A_131 = vector.broadcast %eq3A : f32 to vector<16xf32>
          %eq3A_132 = arith.cmpf oeq, %get3A_130, %eq3A_131 : vector<16xf32>
          %or3A = arith.ori %scan3A_126, %eq3A_132 : vector<16xi1>
          %scan3A_133 = arith.constant 1 : i32
          %scan3A_134 = arith.addi %scan3A_125, %scan3A_133 : i32
          %mul3A_135 = arith.constant 16 : i32
          %mul3A_136 = arith.muli %scan3A_134, %mul3A_135 : i32
          %get3A_137 = arith.index_cast %scan3A_100 : i32 to index
          %get3A_138 = arith.index_cast %mul3A_136 : i32 to index
          %get3A_139 = tpu.vector_load %arg4[%get3A_137, %get3A_138] {strides = array<i32>} : memref<4x512xf32, #tpu.memory_space<vmem>>, vector<16xf32>,
          %eq3A_140 = arith.constant 0.000000e+00 : f32
          %eq3A_141 = vector.broadcast %eq3A_140 : f32 to vector<16xf32>
          %eq3A_142 = arith.cmpf oeq, %get3A_139, %eq3A_141 : vector<16xf32>
          %or3A_143 = arith.ori %or3A, %eq3A_142 : vector<16xi1>
          %scan3A_144 = arith.constant 2 : i32
          %scan3A_145 = arith.addi %scan3A_125, %scan3A_144 : i32
          %mul3A_146 = arith.constant 16 : i32
          %mul3A_147 = arith.muli %scan3A_145, %mul3A_146 : i32
          %get3A_148 = arith.index_cast %scan3A_100 : i32 to index
          %get3A_149 = arith.index_cast %mul3A_147 : i32 to index
          %get3A_150 = tpu.vector_load %arg4[%get3A_148, %get3A_149] {strides = array<i32>} : memref<4x512xf32, #tpu.memory_space<vmem>>, vector<16xf32>,
          %eq3A_151 = arith.constant 0.000000e+00 : f32
          %eq3A_152 = vector.broadcast %eq3A_151 : f32 to vector<16xf32>
          %eq3A_153 = arith.cmpf oeq, %get3A_150, %eq3A_152 : vector<16xf32>
          %or3A_154 = arith.ori %or3A_143, %eq3A_153 : vector<16xi1>
          %scan3A_155 = arith.constant 3 : i32
          %scan3A_156 = arith.addi %scan3A_125, %scan3A_155 : i32
          %mul3A_157 = arith.constant 16 : i32
          %mul3A_158 = arith.muli %scan3A_156, %mul3A_157 : i32
          %get3A_159 = arith.index_cast %scan3A_100 : i32 to index
          %get3A_160 = arith.index_cast %mul3A_158 : i32 to index
          %get3A_161 = tpu.vector_load %arg4[%get3A_159, %get3A_160] {strides = array<i32>} : memref<4x512xf32, #tpu.memory_space<vmem>>, vector<16xf32>,
          %eq3A_162 = arith.constant 0.000000e+00 : f32
          %eq3A_163 = vector.broadcast %eq3A_162 : f32 to vector<16xf32>
          %eq3A_164 = arith.cmpf oeq, %get3A_161, %eq3A_163 : vector<16xf32>
          %or3A_165 = arith.ori %or3A_154, %eq3A_164 : vector<16xi1>
          scf.yield %or3A_165 : vector<16xi1>
        }
        %scan3A_109 = arith.constant 32 : i32
        %reduce_or3A_110 = arith.constant 1.000000e+00 : f32
        %reduce_or3A_111 = arith.constant 0.000000e+00 : f32
        %reduce_or3A_112 = vector.broadcast %reduce_or3A_110 : f32 to vector<16xf32>
        %reduce_or3A_113 = vector.broadcast %reduce_or3A_111 : f32 to vector<16xf32>
        %reduce_or3A_114 = arith.select %scan3A_108, %reduce_or3A_112, %reduce_or3A_113 : vector<16xi1>, vector<16xf32>
        %reduce_or3A_115 = arith.constant true
        %reduce_or3A_116 = vector.broadcast %reduce_or3A_115 : i1 to vector<16xi1>
        %reduce_or3A_117 = tpu.scan <max>, %reduce_or3A_114 masked %reduce_or3A_116 : vector<16xf32>, vector<16xi1> -> vector<16xf32>
        %reduce_or3A_118 = vector.extract %reduce_or3A_117[15] : f32 from vector<16xf32>
        %reduce_or3A_119 = arith.constant 0.000000e+00 : f32
        %reduce_or3A_120 = arith.cmpf ogt, %reduce_or3A_118, %reduce_or3A_119 : f32
        %convert_element_type3A_121 = arith.extui %reduce_or3A_120 : i1 to i32
        %cond3A_122 = arith.constant 0 : i32
        %cond3A_123 = arith.cmpi ne, %convert_element_type3A_121, %cond3A_122 : i32
        scf.if %cond3A_123 {
          %scan3A_125 = arith.constant 0 : i32
          %scan3A_126 = arith.constant 0 : i32
          %scan3A_127 = arith.constant 32 : i32
          %scan3A_128 = arith.addi %scan3A_126, %scan3A_127 : i32
          %scan3A_129 = arith.constant 4 : i32
          %scan3A_130 = scf.for %scan3A_141 = %scan3A_126 to %scan3A_128 step %scan3A_129 iter_args(%scan3A_142 = %scan3A_125) -> (i32)  : i32 {
            %mul3A_143 = arith.constant 16 : i32
            %mul3A_144 = arith.muli %scan3A_141, %mul3A_143 : i32
            %swap3A = arith.constant 0 : i32
            %swap3A_145 = arith.index_cast %swap3A : i32 to index
            %swap3A_146 = arith.index_cast %mul3A_144 : i32 to index
            %swap3A_147 = tpu.vector_load %arg6[%swap3A_145, %swap3A_146] {strides = array<i32>} : memref<2x512xf32, #tpu.memory_space<vmem>>, vector<16xf32>,
            tpu.vector_store %arg6[%swap3A_145, %swap3A_146], %broadcast_in_dim3A_82 {strides = array<i32>} : memref<2x512xf32, #tpu.memory_space<vmem>>, vector<16xf32>,
            %swap3A_148 = arith.constant 1 : i32
            %swap3A_149 = arith.index_cast %swap3A_148 : i32 to index
            %swap3A_150 = arith.index_cast %mul3A_144 : i32 to index
            %swap3A_151 = tpu.vector_load %arg6[%swap3A_149, %swap3A_150] {strides = array<i32>} : memref<2x512xf32, #tpu.memory_space<vmem>>, vector<16xf32>,
            tpu.vector_store %arg6[%swap3A_149, %swap3A_150], %broadcast_in_dim3A_82 {strides = array<i32>} : memref<2x512xf32, #tpu.memory_space<vmem>>, vector<16xf32>,
            %scan3A_152 = arith.constant 0 : i32
            %scan3A_153 = arith.constant 1 : i32
            %scan3A_154 = arith.addi %scan3A_141, %scan3A_153 : i32
            %mul3A_155 = arith.constant 16 : i32
            %mul3A_156 = arith.muli %scan3A_154, %mul3A_155 : i32
            %swap3A_157 = arith.constant 0 : i32
            %swap3A_158 = arith.index_cast %swap3A_157 : i32 to index
            %swap3A_159 = arith.index_cast %mul3A_156 : i32 to index
            %swap3A_160 = tpu.vector_load %arg6[%swap3A_158, %swap3A_159] {strides = array<i32>} : memref<2x512xf32, #tpu.memory_space<vmem>>, vector<16xf32>,
            tpu.vector_store %arg6[%swap3A_158, %swap3A_159], %broadcast_in_dim3A_82 {strides = array<i32>} : memref<2x512xf32, #tpu.memory_space<vmem>>, vector<16xf32>,
            %swap3A_161 = arith.constant 1 : i32
            %swap3A_162 = arith.index_cast %swap3A_161 : i32 to index
            %swap3A_163 = arith.index_cast %mul3A_156 : i32 to index
            %swap3A_164 = tpu.vector_load %arg6[%swap3A_162, %swap3A_163] {strides = array<i32>} : memref<2x512xf32, #tpu.memory_space<vmem>>, vector<16xf32>,
            tpu.vector_store %arg6[%swap3A_162, %swap3A_163], %broadcast_in_dim3A_82 {strides = array<i32>} : memref<2x512xf32, #tpu.memory_space<vmem>>, vector<16xf32>,
            %scan3A_165 = arith.constant 0 : i32
            %scan3A_166 = arith.constant 2 : i32
            %scan3A_167 = arith.addi %scan3A_141, %scan3A_166 : i32
            %mul3A_168 = arith.constant 16 : i32
            %mul3A_169 = arith.muli %scan3A_167, %mul3A_168 : i32
            %swap3A_170 = arith.constant 0 : i32
            %swap3A_171 = arith.index_cast %swap3A_170 : i32 to index
            %swap3A_172 = arith.index_cast %mul3A_169 : i32 to index
            %swap3A_173 = tpu.vector_load %arg6[%swap3A_171, %swap3A_172] {strides = array<i32>} : memref<2x512xf32, #tpu.memory_space<vmem>>, vector<16xf32>,
            tpu.vector_store %arg6[%swap3A_171, %swap3A_172], %broadcast_in_dim3A_82 {strides = array<i32>} : memref<2x512xf32, #tpu.memory_space<vmem>>, vector<16xf32>,
            %swap3A_174 = arith.constant 1 : i32
            %swap3A_175 = arith.index_cast %swap3A_174 : i32 to index
            %swap3A_176 = arith.index_cast %mul3A_169 : i32 to index
            %swap3A_177 = tpu.vector_load %arg6[%swap3A_175, %swap3A_176] {strides = array<i32>} : memref<2x512xf32, #tpu.memory_space<vmem>>, vector<16xf32>,
            tpu.vector_store %arg6[%swap3A_175, %swap3A_176], %broadcast_in_dim3A_82 {strides = array<i32>} : memref<2x512xf32, #tpu.memory_space<vmem>>, vector<16xf32>,
            %scan3A_178 = arith.constant 0 : i32
            %scan3A_179 = arith.constant 3 : i32
            %scan3A_180 = arith.addi %scan3A_141, %scan3A_179 : i32
            %mul3A_181 = arith.constant 16 : i32
            %mul3A_182 = arith.muli %scan3A_180, %mul3A_181 : i32
            %swap3A_183 = arith.constant 0 : i32
            %swap3A_184 = arith.index_cast %swap3A_183 : i32 to index
            %swap3A_185 = arith.index_cast %mul3A_182 : i32 to index
            %swap3A_186 = tpu.vector_load %arg6[%swap3A_184, %swap3A_185] {strides = array<i32>} : memref<2x512xf32, #tpu.memory_space<vmem>>, vector<16xf32>,
            tpu.vector_store %arg6[%swap3A_184, %swap3A_185], %broadcast_in_dim3A_82 {strides = array<i32>} : memref<2x512xf32, #tpu.memory_space<vmem>>, vector<16xf32>,
            %swap3A_187 = arith.constant 1 : i32
            %swap3A_188 = arith.index_cast %swap3A_187 : i32 to index
            %swap3A_189 = arith.index_cast %mul3A_182 : i32 to index
            %swap3A_190 = tpu.vector_load %arg6[%swap3A_188, %swap3A_189] {strides = array<i32>} : memref<2x512xf32, #tpu.memory_space<vmem>>, vector<16xf32>,
            tpu.vector_store %arg6[%swap3A_188, %swap3A_189], %broadcast_in_dim3A_82 {strides = array<i32>} : memref<2x512xf32, #tpu.memory_space<vmem>>, vector<16xf32>,
            %scan3A_191 = arith.constant 0 : i32
            scf.yield %scan3A_191 : i32
          }
          %scan3A_131 = arith.constant 32 : i32
          %broadcast_in_dim3A_132 = arith.constant -1 : i32
          %broadcast_in_dim3A_133 = vector.broadcast %broadcast_in_dim3A_132 : i32 to vector<16xi32>
          %scan3A_134 = arith.constant 0 : i32
          %scan3A_135 = arith.constant 32 : i32
          %scan3A_136 = arith.addi %scan3A_134, %scan3A_135 : i32
          %scan3A_137 = arith.constant 1 : i32
          %scan3A_138 = scf.for %scan3A_141 = %scan3A_134 to %scan3A_136 step %scan3A_137 iter_args(%scan3A_142 = %broadcast_in_dim3A_133) -> (vector<16xi32>)  : i32 {
            %mul3A_143 = arith.constant 16 : i32
            %mul3A_144 = arith.muli %scan3A_141, %mul3A_143 : i32
            %get3A = arith.index_cast %scan3A_100 : i32 to index
            %get3A_145 = arith.index_cast %mul3A_144 : i32 to index
            %get3A_146 = tpu.vector_load %arg4[%get3A, %get3A_145] {strides = array<i32>} : memref<4x512xf32, #tpu.memory_space<vmem>>, vector<16xf32>,
            %ne3A = arith.constant 0.000000e+00 : f32
            %ne3A_147 = vector.broadcast %ne3A : f32 to vector<16xf32>
            %ne3A_148 = arith.cmpf one, %get3A_146, %ne3A_147 : vector<16xf32>
            %convert_element_type3A_149 = arith.extui %ne3A_148 : vector<16xi1> to vector<16xi32>
            %broadcast_in_dim3A_150 = arith.constant true
            %broadcast_in_dim3A_151 = vector.broadcast %broadcast_in_dim3A_150 : i1 to vector<16xi1>
            %masked_cumsum3A = tpu.scan <sum>, %convert_element_type3A_149 masked %broadcast_in_dim3A_151 : vector<16xi32>, vector<16xi1> -> vector<16xi32>
            %add3A_152 = arith.addi %masked_cumsum3A, %scan3A_142 : vector<16xi32>
            %mul3A_153 = arith.constant 16 : i32
            %mul3A_154 = arith.muli %scan3A_141, %mul3A_153 : i32
            %convert_element_type3A_155 = arith.sitofp %mul3A_154 : i32 to f32
            %add3A_156 = vector.broadcast %convert_element_type3A_155 : f32 to vector<16xf32>
            %add3A_157 = arith.addf %convert_element_type3A, %add3A_156 : vector<16xf32>
            tpu.vector_store_idx %arg6[%broadcast_in_dim3A_84, %add3A_152], %add3A_157 masked %ne3A_148 : memref<2x512xf32, #tpu.memory_space<vmem>>[vector<16xi32>, vector<16xi32>], vector<16xf32>, vector<16xi1>
            tpu.vector_store_idx %arg6[%broadcast_in_dim3A_86, %add3A_152], %get3A_146 masked %ne3A_148 : memref<2x512xf32, #tpu.memory_space<vmem>>[vector<16xi32>, vector<16xi32>], vector<16xf32>, vector<16xi1>
            %all_reduce_population_count3A = tpu.all_reduce %ne3A_148 {dim = 0 : i64, kind = #tpu.reduction_kind<sum>} : vector<16xi1> -> vector<16xi32>
            %add3A_158 = arith.addi %scan3A_142, %all_reduce_population_count3A : vector<16xi32>
            scf.yield %add3A_158 : vector<16xi32>
          }
          %scan3A_139 = arith.constant 32 : i32
          %add3A_140 = arith.addi %mul3A_2, %scan3A_100 : i32
          "tpu.region"() ({
            %run_scoped3A = tpu.sem_alloc : memref<!tpu.dma_semaphore, #tpu.memory_space<semaphore_mem>>
            %dma_start3A_141 = arith.constant 0 : i32
            %dma_start3A_142 = arith.constant 0 : i32
            %dma_start3A_143 = tpu.memref_slice %arg3[%add3A_140, %dma_start3A_141, %dma_start3A_142] : memref<128x2x512xf32, #tpu.memory_space<hbm>> -> memref<1x2x512xf32, #tpu.memory_space<hbm>>
            %dma_start3A_144 = tpu.memref_squeeze %dma_start3A_143 : memref<1x2x512xf32, #tpu.memory_space<hbm>> -> memref<2x512xf32, #tpu.memory_space<hbm>>
            %dma_start3A_145 = arith.constant 0 : i32
            %dma_start3A_146 = arith.constant 0 : i32
            %dma_start3A_147 = tpu.memref_slice %arg3[%add3A_140, %dma_start3A_145, %dma_start3A_146] : memref<128x2x512xf32, #tpu.memory_space<hbm>> -> memref<1x2x512xf32, #tpu.memory_space<hbm>>
            %dma_start3A_148 = tpu.memref_squeeze %dma_start3A_147 : memref<1x2x512xf32, #tpu.memory_space<hbm>> -> memref<2x512xf32, #tpu.memory_space<hbm>>
            tpu.enqueue_dma source(%arg6 : memref<2x512xf32, #tpu.memory_space<vmem>>) target(%dma_start3A_148 : memref<2x512xf32, #tpu.memory_space<hbm>>) target_semaphore(%run_scoped3A : memref<!tpu.dma_semaphore, #tpu.memory_space<semaphore_mem>>)
            %dma_wait3A_149 = arith.constant 0 : i32
            %dma_wait3A_150 = arith.constant 0 : i32
            %dma_wait3A_151 = tpu.memref_slice %arg3[%add3A_140, %dma_wait3A_149, %dma_wait3A_150] : memref<128x2x512xf32, #tpu.memory_space<hbm>> -> memref<1x2x512xf32, #tpu.memory_space<hbm>>
            %dma_wait3A_152 = tpu.memref_squeeze %dma_wait3A_151 : memref<1x2x512xf32, #tpu.memory_space<hbm>> -> memref<2x512xf32, #tpu.memory_space<hbm>>
            %dma_wait3A_153 = arith.constant 0 : i32
            %dma_wait3A_154 = arith.constant 0 : i32
            %dma_wait3A_155 = tpu.memref_slice %arg3[%add3A_140, %dma_wait3A_153, %dma_wait3A_154] : memref<128x2x512xf32, #tpu.memory_space<hbm>> -> memref<1x2x512xf32, #tpu.memory_space<hbm>>
            %dma_wait3A_156 = tpu.memref_squeeze %dma_wait3A_155 : memref<1x2x512xf32, #tpu.memory_space<hbm>> -> memref<2x512xf32, #tpu.memory_space<hbm>>
            tpu.wait_dma2 semaphore(%run_scoped3A : memref<!tpu.dma_semaphore, #tpu.memory_space<semaphore_mem>>) src(%arg6 : memref<2x512xf32, #tpu.memory_space<vmem>>) dst(%dma_wait3A_156 : memref<2x512xf32, #tpu.memory_space<hbm>>)
            tpu.yield
          }) : () -> ()
        } else {
        }
        %scan3A_124 = arith.constant 0 : i32
        scf.yield %scan3A_124 : i32
      }
      %scan3A_99 = arith.constant 4 : i32
    } else {
    }
    %reduce_or3A_66 = arith.constant 1.000000e+00 : f32
    %reduce_or3A_67 = arith.constant 0.000000e+00 : f32
    %reduce_or3A_68 = vector.broadcast %reduce_or3A_66 : f32 to vector<16xf32>
    %reduce_or3A_69 = vector.broadcast %reduce_or3A_67 : f32 to vector<16xf32>
    %reduce_or3A_70 = arith.select %scan3A_52, %reduce_or3A_68, %reduce_or3A_69 : vector<16xi1>, vector<16xf32>
    %reduce_or3A_71 = arith.constant true
    %reduce_or3A_72 = vector.broadcast %reduce_or3A_71 : i1 to vector<16xi1>
    %reduce_or3A_73 = tpu.scan <max>, %reduce_or3A_70 masked %reduce_or3A_72 : vector<16xf32>, vector<16xi1> -> vector<16xf32>
    %reduce_or3A_74 = vector.extract %reduce_or3A_73[15] : f32 from vector<16xf32>
    %reduce_or3A_75 = arith.constant 0.000000e+00 : f32
    %reduce_or3A_76 = arith.cmpf ogt, %reduce_or3A_74, %reduce_or3A_75 : f32
    %not3A = arith.constant true
    %not3A_77 = arith.xori %reduce_or3A_76, %not3A : i1
    %convert_element_type3A_78 = arith.extui %not3A_77 : i1 to i32
    %cond3A_79 = arith.constant 0 : i32
    %cond3A_80 = arith.cmpi ne, %convert_element_type3A_78, %cond3A_79 : i32
    scf.if %cond3A_80 {
      %dma_wait3A_81 = arith.constant 0 : i32
      %dma_wait3A_82 = arith.constant 0 : i32
      %dma_wait3A_83 = tpu.memref_slice %arg3[%mul3A_2, %dma_wait3A_81, %dma_wait3A_82] : memref<128x2x512xf32, #tpu.memory_space<hbm>> -> memref<4x2x512xf32, #tpu.memory_space<hbm>>
      %dma_wait3A_84 = arith.constant 0 : i32
      %dma_wait3A_85 = arith.constant 0 : i32
      %dma_wait3A_86 = tpu.memref_slice %arg3[%mul3A_2, %dma_wait3A_84, %dma_wait3A_85] : memref<128x2x512xf32, #tpu.memory_space<hbm>> -> memref<4x2x512xf32, #tpu.memory_space<hbm>>
      tpu.wait_dma2 semaphore(%arg9 : memref<!tpu.dma_semaphore, #tpu.memory_space<semaphore_mem>>) src(%arg5 : memref<4x2x512xf32, #tpu.memory_space<vmem>>) dst(%dma_wait3A_86 : memref<4x2x512xf32, #tpu.memory_space<hbm>>)
    } else {
    }
    return
  }
}

</mosaic_0001>

<sc_bundles>
// kernel: kernel.3.cloned.1.call-start
scs
__scs_entry_jumppad:
0x0: {  	(pc) =	sbr.rel $0x88, $3  }
0x1: {  	(tag) =	ssettag $0x0;
	lr =	simm.s32 $0x1  }
0x2: {  	[smem:$0x3FA0] =	sst lr;
	_ =	strace $0xD0000000  }
0x3: {  	_ = 	snop  }
0x4: {  	_ = 	snop  }
0x5: {  	_ = 	snop  }
0x6: {  	_ = 	snop  }
0x7: {  	_ = 	snop  }
__scs_overlays_trampoline_lowered:
0x8: {  	[smem:$0x3FAF] =	sst s0  }
0x9: {  	[smem:$0x3FB0] =	sst s1  }
0xa: {  	[smem:$0x3FB1] =	sst s2  }
0xb: {  	[smem:$0x3FB2] =	sst s3  }
0xc: {  	[smem:$0x3FB3] =	sst s4  }
0xd: {  	[smem:$0x3FB4] =	sst s5  }
0xe: {  	[smem:$0x3FB5] =	sst s6  }
0xf: {  	[smem:$0x3FB6] =	sst s7  }
0x10: {  	[smem:$0x3FB7] =	sst s8  }
0x11: {  	[smem:$0x3FB8] =	sst s9;
	s0 =	simm.s32 @!p0 $0x0  }
0x12: {  	s1 =	sld [smem:$0x3F9E];
	s0 =	simm.s32 @p0 $0x1  }
0x13: {  	[smem:$0x3FB9] =	sst s0;
	s0 =	simm.s32 @!p1 $0x0  }
0x14: {  	s2 =	sld [smem:$0x3F9D];
	s0 =	simm.s32 @p1 $0x1  }
0x15: {  	[smem:$0x3FBA] =	sst s0;
	s0 =	simm.s32 @!p2 $0x0  }
0x16: {  	s3 =	sld [smem:$0x3FDB];
	s0 =	simm.s32 @p2 $0x1  }
0x17: {  	s4 =	simm.s32 $0x1BF5;
	[smem:$0x3FBC] =	sst s0  }
0x18: {  	s0 =	sld [smem:$0x3F9F];
	_ =	swait.ge [sflag:s4], $0x0  }
0x19: {  	s7 =	sld [smem:$0x3FA0]  }
0x1a: {  	s8 =	sadd.s32 $0xFFFFE003, lr  }
0x1b: {  	s9 =	sadd.s32 $0xFFFFFEF7, lr;
	s5 =	simm.s32 $0xFFFFFFFF;
	p2 =	slt.u32 s8, $0xFFFFF086  }
0x1c: {  	p1 =	slt.u32 s9, $0xF7A;
	s5 =	simm.s32 @!p2 $0x0  }
0x1d: {  	s5 =	simm.s32 @p1 $0x1;
	p0 =	seq.s32 s7, s2  }
0x1e: {  	s7 =	smul.u32 @!p0 $0xF7A, s2;
	p2 =	seq.s32 @!p0 s5, $0x0  }
0x1f: {  	s9 =	smul.u32 $0xF7A, s1;
	s8 =	simm.s32 @!p0 $0x1BF5;
	p2 =	por !p2, p0  }
0x20: {  	[sflag:s8] =	ssyncset.s32 @!p0 $0xFFFFF086;
	s6 =	sadd.s32 @!p0 s3, s7;
	s7 =	simm.s32 @!p0 $0x108  }
0x21: {  	s3 =	sadd.s32 s3, s9;
	s6 =	sadd.s32 @!p0 $0x88, s6;
	s7 =	simm.s32 @p2 $0x1082  }
0x22: {  	[simem:s7], [sflag:s8] =	dma.local @!p0 [hbm:s6], $0xF7A  }
0x23: {  	s9 =	sor.u32 $0xD0000000, s2;
	s6 =	simm.s32 $0x108;
	_ =	swait.ge @!p0 [sflag:s8], $0x0  }
0x24: {  	s3 =	sadd.s32 $0x88, s3;
	s6 =	simm.s32 @!p1 $0x1082;
	[sflag:s4] =	ssyncset.s32 $0xFFFFF086  }
0x25: {  	[simem:s6], [sflag:s4] =	dma.local [hbm:s3], $0xF7A  }
0x26: {  	[smem:$0x3FA0] =	sst s1;
	(tag) =	ssettag s2;
	_ =	strace s9  }
0x27: {  	s1 =	sld [smem:$0x3FB0]  }
0x28: {  	s2 =	sld [smem:$0x3FB1]  }
0x29: {  	s4 =	sld [smem:$0x3FB3]  }
0x2a: {  	p0 =	seq.s32 s5, $0x0;
	s5 =	sld [smem:$0x3FB4]  }
0x2b: {  	s6 =	sld [smem:$0x3FB5]  }
0x2c: {  	s7 =	sld [smem:$0x3FB6]  }
0x2d: {  	s3 =	simm.s32 $0x108;
	s8 =	sld [smem:$0x3FB7]  }
0x2e: {  	s3 =	simm.s32 @!p0 $0x1082;
	s9 =	sld [smem:$0x3FB8]  }
0x2f: {  	lr =	sadd.s32 s0, s3;
	s0 =	sld [smem:$0x3FAF]  }
0x30: {  	s3 =	sld [smem:$0x3FB2]  }
0x31: {  	[smem:$0x3FBB] =	sst s10  }
0x32: {  	s10 =	sld [smem:$0x3FB9];
	_ =	sdelay $0x3  }
0x33: {  	p0 =	seq.s32 s10, $0x1;
	s10 =	sld [smem:$0x3FBB];
	_ =	sdelay $0x3  }
0x34: {  	[smem:$0x3FBB] =	sst s10  }
0x35: {  	s10 =	sld [smem:$0x3FBA];
	_ =	sdelay $0x3  }
0x36: {  	p1 =	seq.s32 s10, $0x1;
	s10 =	sld [smem:$0x3FBB];
	_ =	sdelay $0x3  }
0x37: {  	[smem:$0x3FBB] =	sst s10  }
0x38: {  	s10 =	sld [smem:$0x3FBC]  }
0x39: {  	_ = 	snop;
	(pc) =	sbr.ind lr, $3  }
0x3a: {  	_ = 	snop  }
0x3b: {  	_ = 	snop  }
0x3c: {  	p2 =	seq.s32 s10, $0x1;
	s10 =	sld [smem:$0x3FBB]  }
0x3d: {  	_ =	shalt  }
0x3e: {  	_ =	shalt  }
0x3f: {  	_ =	shalt  }
0x40: {  	_ =	shalt  }
0x41: {  	_ =	shalt  }
0x42: {  	_ =	shalt  }
0x43: {  	_ =	shalt  }
0x44: {  	_ =	shalt  }
0x45: {  	_ =	shalt  }
0x46: {  	_ =	shalt  }
0x47: {  	_ =	shalt  }
0x48: {  	_ =	shalt  }
0x49: {  	_ =	shalt  }
0x4a: {  	_ =	shalt  }
0x4b: {  	_ =	shalt  }
0x4c: {  	_ =	shalt  }
0x4d: {  	_ =	shalt  }
0x4e: {  	_ =	shalt  }
0x4f: {  	_ =	shalt  }
0x50: {  	_ =	shalt  }
0x51: {  	_ =	shalt  }
0x52: {  	_ =	shalt  }
0x53: {  	_ =	shalt  }
0x54: {  	_ =	shalt  }
0x55: {  	_ =	shalt  }
0x56: {  	_ =	shalt  }
0x57: {  	_ =	shalt  }
0x58: {  	_ =	shalt  }
0x59: {  	_ =	shalt  }
0x5a: {  	_ =	shalt  }
0x5b: {  	_ =	shalt  }
0x5c: {  	_ =	shalt  }
0x5d: {  	_ =	shalt  }
0x5e: {  	_ =	shalt  }
0x5f: {  	_ =	shalt  }
0x60: {  	_ =	shalt  }
0x61: {  	_ =	shalt  }
0x62: {  	_ =	shalt  }
0x63: {  	_ =	shalt  }
0x64: {  	_ =	shalt  }
0x65: {  	_ =	shalt  }
0x66: {  	_ =	shalt  }
0x67: {  	_ =	shalt  }
0x68: {  	_ =	shalt  }
0x69: {  	_ =	shalt  }
0x6a: {  	_ =	shalt  }
0x6b: {  	_ =	shalt  }
0x6c: {  	_ =	shalt  }
0x6d: {  	_ =	shalt  }
0x6e: {  	_ =	shalt  }
0x6f: {  	_ =	shalt  }
0x70: {  	_ =	shalt  }
0x71: {  	_ =	shalt  }
0x72: {  	_ =	shalt  }
0x73: {  	_ =	shalt  }
0x74: {  	_ =	shalt  }
0x75: {  	_ =	shalt  }
0x76: {  	_ =	shalt  }
0x77: {  	_ =	shalt  }
0x78: {  	_ =	shalt  }
0x79: {  	_ =	shalt  }
0x7a: {  	_ =	shalt  }
0x7b: {  	_ =	shalt  }
0x7c: {  	_ =	shalt  }
0x7d: {  	_ =	shalt  }
0x7e: {  	_ =	shalt  }
0x7f: {  	_ =	shalt  }
0x80: {  	_ =	shalt  }
0x81: {  	_ =	shalt  }
0x82: {  	_ =	shalt  }
0x83: {  	_ =	shalt  }
0x84: {  	_ =	shalt  }
0x85: {  	_ =	shalt  }
0x86: {  	_ =	shalt  }
0x87: {  	_ =	shalt  }
.Lfunc_end0:
.L_simem_size_0:
called_computation_lowered:
.L_overlay_start_0:
0x88: {  	s2 =	sld [smem:$0x3FD9]  }
0x89: {  	s3 =	sld [smem:$0x3FFE];
	_ =	sdelay $0x1  }
0x8a: {  	s1 =	srdreg.scid  }
0x8b: {  	s0 =	sand.u32 $0x1, s1  }
0x8c: {  	s18 =	sshll.u32 s0, $0xA;
	s2 =	sadd.s32 s3, s2  }
0x8d: {  	s2 =	sadd.s32 s2, s18  }
0x8e: {  	[smem:$0x3FC7] =	sst s2  }
0x8f: {  	_ = 	snop  }
0x90: {  	s2 =	sld [smem:$0x3FC9]  }
0x91: {  	s19 =	sld [smem:$0x3FD0];
	(tm) =	ssettm $0x1  }
0x92: {  	s4 =	sld [smem:$0x3FFB];
	_ =	sdelay $0x3  }
0x93: {  	_ =	strace s4  }
0x94: {  	s4 =	sld [smem:$0x3FFC];
	_ =	sdelay $0x3  }
0x95: {  	_ =	strace s4  }
0x96: {  	s4 =	sld [smem:$0x3FFD];
	_ =	sdelay $0x3  }
0x97: {  	_ =	strace s4  }
0x98: {  	_ =	strace $0x8FFFFFFF  }
0x99: {  	s20 =	sld [smem:$0x3FDB];
	_ =	sdelay $0x1  }
0x9a: {  	s5 =	simm.s32 $_scs_section_size  }
0x9b: {  	s6 =	simm.s32 $_size__tile_overlayer_lowered;
	s7 =	simm.s32 $_tile_overlayer_lowered  }
0x9c: {  	s23 =	simm.s32 $0x1BFF;
	s22 =	sshll.u32 s7, $0x1;
	s4 =	sadd.s32 s5, s20  }
0x9d: {  	s8 =	simm.s32 $0x0;
	s21 =	sshll.u32 s6, $0x1;
	s6 =	sadd.s32 s22, s4  }
0x9e: {  	[timem:s8], [sflag:s23] =	dma.local [hbm:s6], s21  }
0x9f: {  	_ =	swait.ge [sflag:s23], s21  }
0xa0: {  	s5 =	ssub.s32 $0x0, s21;
	[sflag:s23] =	ssyncset.done $0x0  }
0xa1: {  	[sflag:s23] =	ssyncadd.s32 s5;
	_ =	sdelay $0x1  }
0xa2: {  	s24 =	simm.s32 $0x1B8B  }
0xa3: {  	_ =	swait.ge [sflag:s24], $0x1  }
0xa4: {  	[sflag:s24] =	ssyncset.done $0x0  }
0xa5: {  	s25 =	simm.s32 $0x1B8E;
	[sflag:s24] =	ssyncadd.s32 $0xFFFFFFFF  }
0xa6: {  	s26 =	simm.s32 $execute0_lowered;
	[smem:$0x3FD2] =	sst s25  }
0xa7: {  	s5 =	sshll.u32 s26, $0x1;
	_ =	strace $0x80000046;
	[dreg:$0x1] =	wrdreg $0xFFFFFFFF  }
0xa8: {  	s28 =	simm.s32 $_size_execute0_lowered;
	s4 =	sadd.s32 s4, s5;
	[dreg:$0x0] =	wrdreg $0x0  }
0xa9: {  	s5 =	sshll.u32 s28, $0x1;
	[dreg:$0x2] =	wrdreg s4  }
0xaa: {  	[dreg:$0x3] =	wrdreg s5  }
0xab: {  	[dreg:$0x4] =	wrdreg $0xC0  }
0xac: {  	_ =	task [dreg:s8], $0x5FFFF  }
0xad: {  	[dreg:$0x1] =	wrdreg $0xFFFFFFFF  }
0xae: {  	[dreg:$0x0] =	wrdreg $0x60  }
0xaf: {  	[dreg:$0x2] =	wrdreg s2  }
0xb0: {  	[dreg:$0x3] =	wrdreg s19  }
0xb1: {  	[dreg:$0x4] =	wrdreg $0x9  }
0xb2: {  	_ =	task.clear_ibuf [dreg:s8], $0x5FFFF;
	_ =	strace $0x90000046  }
0xb3: {  	s29 =	simm.s32 $0x9;
	_ =	strace $0x80000048  }
0xb4: {  	_ =	swait.ge [sflag:s29], $0x1  }
0xb5: {  	[sflag:s29] =	ssyncadd.s32 $0xFFFFFFFF  }
0xb6: {  	_ =	strace $0x90000048  }
0xb7: {  	_ =	sfence  }
0xb8: {  	s30 =	sld [smem:$0x0];
	_ =	sdelay $0x2  }
0xb9: {  	s31 =	sshll.u32 s1, $0xD;
	s1 =	sshrl.u32 s1, $0x2  }
0xba: {  	s3 =	sand.u32 $0x4000, s31;
	s1 =	sadd.s32 s1, s30  }
0xbb: {  	s0 =	sor.u32 s3, s0;
	s1 =	sshll.u32 s1, $0x11  }
0xbc: {  	s0 =	sor.u32 s1, s0  }
0xbd: {  	s0 =	sadd.s32 $0x8F2B, s0  }
0xbe: {  	[sflag:s0] =	ssyncadd.remote.s32 $0x1  }
0xbf: {  	_ =	sfence.sel $0xFFFF  }
0xc0: {  	[dreg:$0x0] =	wrdreg $0xFFFFFFFF;
	(pc) =	sbr.abs _section_cstart, $3  }
0xc1: {  	[dreg:$0x1] =	wrdreg $0xFFFFFFFF  }
0xc2: {  	_ =	task.clear_ibuf [dreg:s8], $0x2FFFF;
	_ =	strace $0x9FFFFFFF  }
0xc3: {  	(tm) =	ssettm $0x7FFFFFFF  }
tec
execute0_lowered:
.L_overlay_start_1:
0x0: {  	(tag) =	ssettag $0x1  }
0x1: {  	s0 =	rddreg [dreg:$0x0]  }
0x2: {  	s1 =	rddreg [dreg:$0x1];
	s3 =	srdreg.scid;
	s2 =	simm.s32 $0x0  }
0x3: {  	s8 =	stileid.u32;
	s3 =	sand.u32 $0x1, s3;
	[smem:$0x7FF] =	sst s2  }
0x4: {  	s4 =	sshll.u32 s8, $0x3;
	s15 =	sshll.u32 s8, $0x9;
	s7 =	sshll.u32 s3, $0x2  }
0x5: {  	s5 =	ssub.s32 $0x2, s3;
	s3 =	sshll.u32 s3, $0x6;
	s4 =	sor.u32 s7, s4  }
0x6: {  	s6 =	sshrl.u32 s5, $0x1;
	s0 =	sadd.s32 s0, s3;
	s17 =	sshll.u32 s4, $0x7  }
0x7: {  	s16 =	ssub.s32 s5, s6;
	s5 =	sadd.s32 s15, s0;
	s0 =	sadd.s32 s1, s17  }
0x8: {  	v0 =	vimm.f32 $1.500000000e+01;
	vm0 =	vcmask $0x300;
	_ =	strace $0x80000047;
	s18 =	smax.u32 s16, $0x1;
	[dreg:$0x3] =	wrdreg s0  }
0x9: {  	v0 =	vsel vm0, $0x0, v0;
	vm0 =	vcmask $0x704;
	s19 =	sadd.s32 $0x80, s5;
	[dreg:$0x4] =	wrdreg s18  }
0xa: {  	v0 =	vsel vm0, $0x3F800000, v0;
	vm0 =	vcmask $0xB08;
	s20 =	sadd.s32 $0x100, s5;
	[dreg:$0x5] =	wrdreg s19  }
0xb: {  	v0 =	vsel vm0, $0x40000000, v0;
	vm0 =	vcmask $0xF0C;
	s21 =	sadd.s32 $0x180, s5;
	[dreg:$0x6] =	wrdreg s20  }
0xc: {  	v0 =	vsel vm0, $0x40400000, v0;
	vm0 =	vcmask $0x1310;
	s22 =	sadd.s32 $0x10, s5;
	[dreg:$0x7] =	wrdreg s21  }
0xd: {  	s23 =	sadd.s32 $0x90, s5;
	v0 =	vsel vm0, $0x40800000, v0;
	vm0 =	vcmask $0x1714;
	[dreg:$0x8] =	wrdreg s22  }
0xe: {  	s24 =	sadd.s32 $0x110, s5;
	[dreg:$0x9] =	wrdreg s23;
	v0 =	vsel vm0, $0x40A00000, v0;
	vm0 =	vcmask $0x1B18  }
0xf: {  	s25 =	sadd.s32 $0x190, s5;
	[dreg:$0xa] =	wrdreg s24;
	v0 =	vsel vm0, $0x40C00000, v0;
	vm0 =	vcmask $0x1F1C  }
0x10: {  	s26 =	sadd.s32 $0x20, s5;
	[dreg:$0xb] =	wrdreg s25;
	v0 =	vsel vm0, $0x40E00000, v0;
	vm0 =	vcmask $0x2320  }
0x11: {  	s29 =	sadd.s32 $0xA0, s5;
	[dreg:$0xc] =	wrdreg s26;
	v0 =	vsel vm0, $0x41000000, v0;
	vm0 =	vcmask $0x2724  }
0x12: {  	s30 =	sadd.s32 $0x120, s5;
	[dreg:$0xd] =	wrdreg s29;
	v0 =	vsel vm0, $0x41100000, v0;
	vm0 =	vcmask $0x2B28  }
.Ltmp0:
0x13: {  	s31 =	sadd.s32 $0x1A0, s5;
	[dreg:$0xe] =	wrdreg s30;
	v0 =	vsel vm0, $0x41200000, v0;
	vm0 =	vcmask $0x2F2C;
	(pc) =	sbr.rel .LBB2_1-.Ltmp0, $4  }
0x14: {  	s28 =	simm.s32 $0x0;
	[dreg:$0xf] =	wrdreg s31;
	v0 =	vsel vm0, $0x41300000, v0;
	vm0 =	vcmask $0x3330  }
0x15: {  	s19 =	sadd.s32 $0x30, s5;
	s20 =	sadd.s32 $0xB0, s5;
	s21 =	sadd.s32 $0x130, s5;
	v0 =	vsel vm0, $0x41400000, v0;
	vm0 =	vcmask $0x3734  }
0x16: {  	v1 =	vimm.f32 $0.0e+00;
	s22 =	sadd.s32 $0x1B0, s5;
	s0 =	simm.s32 $0x2;
	s23 =	simm.s32 $0x1;
	v0 =	vsel vm0, $0x41500000, v0;
	vm0 =	vcmask $0x3B38  }
0x17: {  	v2 =	vimm.s32 $0x0;
	s24 =	simm.s32 $0x3;
	s25 =	simm.s32 $0x1800;
	s26 =	simm.s32 $0x4;
	v0 =	vsel vm0, $0x41600000, v0;
	vm0 =	vmxor vm0, vm0  }
.LBB2_12:
0x18: {  	s28 =	sadd.s32 $0x1, s28;
	s3 =	rddreg [dreg:$0x4]  }
0x19: {  	p0 =	sne.s32 s28, s3  }
.Ltmp1:
0x1a: {  	_ = 	snop;
	(pc) =	sbr.rel @!p0 .LBB2_13-.Ltmp1, $1  }
0x1b: {  	_ =	sdelay $0x3  }
.LBB2_1:
0x1c: {  	s3 =	simm.s32 $0x200;
	s6 =	simm.s32 $0x400  }
0x1d: {  	[tilespmem:s2], [sflag:$0x1] =	stream.strided.gather [hbm4b:s5+s3], $0x800, s6, s3, $0x38;
	[tilespmem:$0x1C00] =	vst v63  }
0x1e: {  	s14 =	simm.s32 $0x880  }
0x1f: {  	[tilespmem:s14], [sflag:$0x2] =	stream.linear.gather [hbm4b:s5+s2], $0x80, $0x38;
	[tilespmem:$0x1C00] =	vst v63  }
0x20: {  	s15 =	rddreg [dreg:$0x5];
	s16 =	simm.s32 $0x980  }
0x21: {  	[tilespmem:s16], [sflag:$0x2] =	stream.linear.gather [hbm4b:s15+s2], $0x80, $0x38;
	[tilespmem:$0x1C00] =	vst v63  }
0x22: {  	s17 =	rddreg [dreg:$0x6];
	s18 =	simm.s32 $0xA80  }
0x23: {  	[tilespmem:s18], [sflag:$0x2] =	stream.linear.gather [hbm4b:s17+s2], $0x80, $0x38;
	[tilespmem:$0x1C00] =	vst v63  }
0x24: {  	s7 =	rddreg [dreg:$0x7];
	s8 =	simm.s32 $0xB80  }
0x25: {  	[tilespmem:s8], [sflag:$0x2] =	stream.linear.gather [hbm4b:s7+s2], $0x80, $0x38;
	[tilespmem:$0x1C00] =	vst v63  }
0x26: {  	s9 =	rddreg [dreg:$0x8];
	s10 =	simm.s32 $0xC80  }
0x27: {  	[tilespmem:s10], [sflag:$0x2] =	stream.linear.gather [hbm4b:s9+s2], $0x80, $0x38;
	[tilespmem:$0x1C00] =	vst v63  }
0x28: {  	s11 =	rddreg [dreg:$0x9];
	s12 =	simm.s32 $0xD80  }
0x29: {  	[tilespmem:s12], [sflag:$0x2] =	stream.linear.gather [hbm4b:s11+s2], $0x80, $0x38;
	[tilespmem:$0x1C00] =	vst v63  }
0x2a: {  	s13 =	rddreg [dreg:$0xa];
	s14 =	simm.s32 $0xE80  }
0x2b: {  	[tilespmem:s14], [sflag:$0x2] =	stream.linear.gather [hbm4b:s13+s2], $0x80, $0x38;
	[tilespmem:$0x1C00] =	vst v63  }
0x2c: {  	s15 =	rddreg [dreg:$0xb];
	s16 =	simm.s32 $0xF80  }
0x2d: {  	[tilespmem:s16], [sflag:$0x2] =	stream.linear.gather [hbm4b:s15+s2], $0x80, $0x38;
	[tilespmem:$0x1C00] =	vst v63  }
0x2e: {  	s17 =	rddreg [dreg:$0xc];
	s18 =	simm.s32 $0x1080  }
0x2f: {  	[tilespmem:s18], [sflag:$0x2] =	stream.linear.gather [hbm4b:s17+s2], $0x80, $0x38;
	[tilespmem:$0x1C00] =	vst v63  }
0x30: {  	s6 =	rddreg [dreg:$0xd];
	s7 =	simm.s32 $0x1180  }
0x31: {  	[tilespmem:s7], [sflag:$0x2] =	stream.linear.gather [hbm4b:s6+s2], $0x80, $0x38;
	[tilespmem:$0x1C00] =	vst v63  }
0x32: {  	s8 =	rddreg [dreg:$0xe];
	s9 =	simm.s32 $0x1280  }
0x33: {  	[tilespmem:s9], [sflag:$0x2] =	stream.linear.gather [hbm4b:s8+s2], $0x80, $0x38;
	[tilespmem:$0x1C00] =	vst v63  }
0x34: {  	s10 =	rddreg [dreg:$0xf];
	s11 =	simm.s32 $0x1380  }
0x35: {  	[tilespmem:s11], [sflag:$0x2] =	stream.linear.gather [hbm4b:s10+s2], $0x80, $0x38;
	[tilespmem:$0x1C00] =	vst v63  }
0x36: {  	s12 =	simm.s32 $0x1480;
	s13 =	simm.s32 $0x1580;
	s14 =	simm.s32 $0x1680  }
0x37: {  	[tilespmem:s12], [sflag:$0x2] =	stream.linear.gather [hbm4b:s19+s2], $0x80, $0x38;
	[tilespmem:$0x1C00] =	vst v63  }
0x38: {  	s15 =	simm.s32 $0x1780;
	s16 =	simm.s32 $0x0;
	s7 =	sand.u32 $0x300, s2  }
0x39: {  	[tilespmem:s13], [sflag:$0x2] =	stream.linear.gather [hbm4b:s20+s2], $0x80, $0x38;
	[tilespmem:$0x1C00] =	vst v63  }
0x3a: {  	s3 =	sand.u32 $0x40, s16;
	s17 =	scvt.s32.f32 s16;
	s18 =	sor.u32 $0x800, s7  }
0x3b: {  	[tilespmem:s14], [sflag:$0x2] =	stream.linear.gather [hbm4b:s21+s2], $0x80, $0x38;
	[tilespmem:$0x1C00] =	vst v63  }
0x3c: {  	v3 =	vadd.f32 s17, v0;
	s8 =	simm.s32 $0x10;
	s9 =	sor.u32 $0xC00, s7;
	s29 =	sor.u32 s3, s18  }
0x3d: {  	[tilespmem:s15], [sflag:$0x2] =	stream.linear.gather [hbm4b:s22+s2], $0x80, $0x38;
	[tilespmem:$0x1C00] =	vst v63  }
0x3e: {  	s31 =	sor.u32 $0x1000, s7;
	s30 =	sor.u32 s3, s9;
	[tilespmem:s29+$0x0] =	vst v3;
	s29 =	scvt.s32.f32 s8  }
0x3f: {  	s10 =	sor.u32 s3, s31;
	s11 =	sor.u32 $0x1400, s7;
	[tilespmem:s30+$0x0] =	vst v3  }
0x40: {  	s3 =	sor.u32 s3, s11;
	s12 =	sand.u32 $0x50, s8;
	[tilespmem:s10+$0x0] =	vst v3;
	v4 =	vadd.f32 s29, v0  }
0x41: {  	s13 =	simm.s32 $0x20;
	s8 =	sor.u32 s12, s18;
	[tilespmem:s3+$0x0] =	vst v3  }
0x42: {  	s14 =	sor.u32 s12, s9;
	s15 =	scvt.s32.f32 s13;
	[tilespmem:s8+$0x0] =	vst v4  }
0x43: {  	s16 =	sor.u32 s12, s31;
	s30 =	sand.u32 $0x60, s13;
	[tilespmem:s14+$0x0] =	vst v4  }
0x44: {  	s7 =	sor.u32 s12, s11;
	s29 =	simm.s32 $0x30;
	s6 =	sor.u32 s30, s18;
	v3 =	vadd.f32 s15, v0;
	[tilespmem:s16+$0x0] =	vst v4  }
0x45: {  	s12 =	sor.u32 s30, s9;
	s17 =	sand.u32 $0x70, s29;
	s13 =	scvt.s32.f32 s29;
	[tilespmem:s7+$0x0] =	vst v4  }
0x46: {  	s29 =	simm.s32 $0x0;
	s3 =	sor.u32 s17, s18;
	s8 =	sor.u32 s17, s31;
	[tilespmem:s6+$0x0] =	vst v3  }
0x47: {  	s18 =	sor.u32 s30, s31;
	s31 =	simm.s32 $0x0;
	s7 =	sor.u32 s17, s9;
	[tilespmem:s12+$0x0] =	vst v3  }
0x48: {  	s9 =	sor.u32 s30, s11;
	v4 =	vadd.f32 s13, v0;
	s30 =	simm.s32 $0x70;
	s6 =	sor.u32 s17, s11;
	[tilespmem:s18+$0x0] =	vst v3  }
.LBB2_2:
0x49: {  	s10 =	sadd.s32 $0xFFFFFFD0, s30;
	s29 =	sadd.s32 $0x4, s29;
	[tilespmem:s9+$0x0] =	vst v3  }
0x4a: {  	s31 =	sadd.s32 $0x80, s31;
	s9 =	scvt.s32.f32 s10;
	p0 =	slt.u32 s29, $0x1C;
	[tilespmem:s3+$0x0] =	vst v4  }
0x4b: {  	s11 =	sadd.s32 $0xFFFFFFE0, s30;
	s12 =	sand.u32 $0x70, s30;
	s3 =	sand.u32 $0x300, s31;
	[tilespmem:s7+$0x0] =	vst v4  }
0x4c: {  	s7 =	sand.u32 $0x40, s10;
	s10 =	sor.u32 $0xC00, s3;
	v3 =	vadd.f32 s9, v0;
	s9 =	sor.u32 $0x800, s3;
	[tilespmem:s8+$0x0] =	vst v4  }
0x4d: {  	s14 =	sor.u32 $0x1000, s3;
	s13 =	sor.u32 s7, s10;
	s8 =	sor.u32 s7, s9;
	[tilespmem:s6+$0x0] =	vst v4  }
0x4e: {  	s15 =	sor.u32 $0x1400, s3;
	s6 =	sor.u32 s7, s14;
	[tilespmem:s8+$0x0] =	vst v3;
	s8 =	scvt.s32.f32 s11  }
0x4f: {  	s7 =	sor.u32 s7, s15;
	s3 =	sor.u32 s12, s9;
	s11 =	sand.u32 $0x50, s11;
	[tilespmem:s13+$0x0] =	vst v3  }
0x50: {  	s13 =	sor.u32 s11, s10;
	s16 =	sor.u32 s11, s14;
	[tilespmem:s6+$0x0] =	vst v3;
	v4 =	vadd.f32 s8, v0;
	s6 =	sor.u32 s11, s9  }
0x51: {  	s17 =	sadd.s32 $0xFFFFFFF0, s30;
	s11 =	sor.u32 s11, s15;
	[tilespmem:s7+$0x0] =	vst v3;
	s7 =	sor.u32 s12, s10  }
0x52: {  	s18 =	scvt.s32.f32 s17;
	s8 =	sor.u32 s12, s14;
	[tilespmem:s6+$0x0] =	vst v4;
	s6 =	sor.u32 s12, s15  }
0x53: {  	[tilespmem:s13+$0x0] =	vst v4  }
.Ltmp2:
0x54: {  	v3 =	vadd.f32 s18, v0;
	s12 =	sand.u32 $0x60, s17;
	[tilespmem:s16+$0x0] =	vst v4;
	(pc) =	sbr.rel @p0 .LBB2_2-.Ltmp2, $4  }
0x55: {  	s9 =	sor.u32 s12, s9;
	s10 =	sor.u32 s12, s10;
	[tilespmem:s11+$0x0] =	vst v4;
	s11 =	sor.u32 s12, s14  }
0x56: {  	[tilespmem:s9+$0x0] =	vst v3;
	s9 =	sor.u32 s12, s15;
	s12 =	scvt.s32.f32 s30  }
0x57: {  	[tilespmem:s10+$0x0] =	vst v3  }
0x58: {  	s30 =	sadd.s32 $0x40, s30;
	[tilespmem:s11+$0x0] =	vst v3;
	v4 =	vadd.f32 s12, v0  }
0x59: {  	[tilespmem:s9+$0x0] =	vst v3  }
0x5a: {  	[tilespmem:s3+$0x0] =	vst v4  }
0x5b: {  	[tilespmem:s7+$0x0] =	vst v4  }
0x5c: {  	[tilespmem:s8+$0x0] =	vst v4  }
0x5d: {  	[tilespmem:s6+$0x0] =	vst v4  }
0x5e: {  	_ =	swait.ge [sflag:s0], $0x800  }
0x5f: {  	s9 =	simm.s32 $0x0;
	[sflag:s0] =	ssyncset.done $0x0  }
0x60: {  	s11 =	simm.s32 $0x800;
	s10 =	rddreg [dreg:$0x3];
	[sflag:s0] =	ssyncadd.s32 $0xFFFFF800  }
0x61: {  	[hbm4b:s10+s9] =	stream.linear.scatter [tilespmem:s11], [sflag:$0x3], $0x1000, $0x38;
	[tilespmem:$0x1C00] =	vst v63  }
0x62: {  	_ =	swait.ge [sflag:s23], $0x800  }
0x63: {  	s12 =	sand.u32 $0x40, s9;
	s13 =	sand.u32 $0x600, s9;
	[sflag:s23] =	ssyncset.done $0x0  }
0x64: {  	s6 =	sor.u32 s12, s13;
	[sflag:s23] =	ssyncadd.s32 $0xFFFFF800  }
0x65: {  	v4 =	vld [tilespmem:s6+$0x30]  }
0x66: {  	v8 =	vld [tilespmem:s6+$0xB0]  }
0x67: {  	v10 =	vld [tilespmem:s6+$0x20]  }
0x68: {  	v11 =	vld [tilespmem:s6+$0xA0]  }
0x69: {  	p0 =	por $0x0, $0x0;
	s7 =	simm.s32 $0x1;
	v12 =	vld [tilespmem:s6+$0x10]  }
0x6a: {  	s7 =	simm.s32 @!p0 $0x0;
	v13 =	vld [tilespmem:s6+$0x90]  }
0x6b: {  	s3 =	sor.u32 s9, s9;
	s7 =	sshll.u32 s7, $0x6;
	v14 =	vld [tilespmem:s6+$0x0]  }
0x6c: {  	s3 =	sor.u32 $0x180, s3;
	s14 =	sadd.s32 $0x0, s7;
	v5 =	vld [tilespmem:s6+$0x80]  }
0x6d: {  	s7 =	sor.u32 $0x100, s14;
	s15 =	sadd.s32 $0x10, s14;
	v7 =	vld [tilespmem:s3+$0x0]  }
0x6e: {  	s16 =	sor.u32 $0x100, s15;
	v9 =	vld [tilespmem:s7+$0x0]  }
0x6f: {  	s17 =	sadd.s32 $0x20, s14;
	v3 =	vld [tilespmem:s16+$0x0];
	s3 =	sor.u32 $0x180, s15  }
0x70: {  	vm1 =	vmmov vm0;
	s18 =	sor.u32 $0x100, s17;
	v6 =	vld [tilespmem:s3+$0x0];
	vm2 =	veq.f32 v4, $0.0e+00  }
0x71: {  	s29 =	simm.s32 $0x0;
	s7 =	sor.u32 $0x180, s17;
	s3 =	sadd.s32 $0x30, s14;
	vm4 =	veq.f32 v10, $0.0e+00;
	vm5 =	veq.f32 v11, $0.0e+00;
	v4 =	vld [tilespmem:s18+$0x0];
	vm3 =	veq.f32 v8, $0.0e+00  }
0x72: {  	s30 =	simm.s32 $0x100;
	s31 =	simm.s32 $0x40;
	s6 =	sor.u32 $0x100, s3;
	vm7 =	veq.f32 v14, $0.0e+00;
	vm6 =	veq.f32 v12, $0.0e+00;
	vm8 =	veq.f32 v13, $0.0e+00;
	v8 =	vld [tilespmem:s7+$0x0]  }
.LBB2_4:
0x73: {  	s7 =	sand.u32 $0x40, s31;
	s8 =	sand.u32 $0x600, s30;
	vm9 =	veq.f32 v5, $0.0e+00;
	vm10 =	veq.f32 v9, $0.0e+00;
	vm11 =	veq.f32 v7, $0.0e+00;
	v5 =	vld [tilespmem:s6+$0x0];
	s3 =	sor.u32 $0x180, s3  }
0x74: {  	vm6 =	vmor vm6, vm8;
	s6 =	sor.u32 s7, s8;
	vm7 =	vmor vm7, vm9;
	vm9 =	vmor vm10, vm11;
	v7 =	vld [tilespmem:s3+$0x0]  }
0x75: {  	vm8 =	veq.f32 v3, $0.0e+00;
	v10 =	vld [tilespmem:s6+$0x30];
	vm7 =	vmor vm7, vm9;
	vm9 =	veq.f32 v6, $0.0e+00  }
0x76: {  	vm4 =	vmor vm4, vm5;
	v11 =	vld [tilespmem:s6+$0xB0];
	vm8 =	vmor vm8, vm9;
	vm6 =	vmor vm7, vm6  }
0x77: {  	v12 =	vld [tilespmem:s6+$0x20];
	vm5 =	vmor vm6, vm8;
	vm6 =	veq.f32 v4, $0.0e+00;
	vm7 =	veq.f32 v8, $0.0e+00  }
0x78: {  	vm2 =	vmor vm2, vm3;
	v4 =	vld [tilespmem:s6+$0xA0];
	vm6 =	vmor vm6, vm7;
	vm4 =	vmor vm5, vm4  }
0x79: {  	p0 =	por !p0, !p0;
	s3 =	simm.s32 $0x1;
	v8 =	vld [tilespmem:s6+$0x10];
	vm3 =	vmor vm4, vm6;
	vm4 =	veq.f32 v5, $0.0e+00;
	vm5 =	veq.f32 v7, $0.0e+00  }
0x7a: {  	s29 =	sadd.s32 $0x4, s29;
	s3 =	simm.s32 @!p0 $0x0;
	v13 =	vld [tilespmem:s6+$0x90];
	vm4 =	vmor vm4, vm5;
	vm2 =	vmor vm3, vm2  }
0x7b: {  	s7 =	sor.u32 s30, s31;
	p1 =	slt.u32 s29, $0x1C;
	s3 =	sshll.u32 s3, $0x6;
	v14 =	vld [tilespmem:s6+$0x0];
	vm2 =	vmor vm2, vm4  }
0x7c: {  	s3 =	sadd.s32 s3, s30;
	v5 =	vld [tilespmem:s6+$0x80];
	s6 =	sor.u32 $0x180, s7;
	vm1 =	vmor vm1, vm2  }
0x7d: {  	s7 =	sor.u32 $0x100, s3;
	v7 =	vld [tilespmem:s6+$0x0];
	s6 =	sadd.s32 $0x10, s3  }
.Ltmp3:
0x7e: {  	v9 =	vld [tilespmem:s7+$0x0];
	s7 =	sor.u32 $0x100, s6;
	(pc) =	sbr.rel @p1 .LBB2_4-.Ltmp3, $4  }
0x7f: {  	s6 =	sor.u32 $0x180, s6;
	v3 =	vld [tilespmem:s7+$0x0];
	s7 =	sadd.s32 $0x20, s3  }
0x80: {  	vm2 =	veq.f32 v10, $0.0e+00;
	v6 =	vld [tilespmem:s6+$0x0];
	s6 =	sor.u32 $0x100, s7  }
0x81: {  	vm3 =	veq.f32 v11, $0.0e+00;
	vm4 =	veq.f32 v12, $0.0e+00;
	vm5 =	veq.f32 v4, $0.0e+00;
	s3 =	sadd.s32 $0x30, s3;
	v4 =	vld [tilespmem:s6+$0x0];
	s6 =	sor.u32 $0x180, s7  }
0x82: {  	s31 =	sadd.s32 $0x40, s31;
	s30 =	sadd.s32 $0x100, s30;
	vm6 =	veq.f32 v8, $0.0e+00;
	vm8 =	veq.f32 v13, $0.0e+00;
	vm7 =	veq.f32 v14, $0.0e+00;
	v8 =	vld [tilespmem:s6+$0x0];
	s6 =	sor.u32 $0x100, s3  }
0x83: {  	vm9 =	veq.f32 v5, $0.0e+00;
	vm10 =	veq.f32 v9, $0.0e+00;
	vm11 =	veq.f32 v7, $0.0e+00;
	v62 =	vld [tilespmem:s6+$0x0];
	s3 =	sor.u32 $0x180, s3  }
0x84: {  	vm6 =	vmor vm6, vm8;
	vm7 =	vmor vm7, vm9;
	vm13 =	vmor vm10, vm11;
	v63 =	vld [tilespmem:s3+$0x0]  }
0x85: {  	vm14 =	veq.f32 v3, $0.0e+00;
	vm7 =	vmor vm7, vm13;
	vm15 =	veq.f32 v6, $0.0e+00  }
0x86: {  	vm4 =	vmor vm4, vm5;
	vm8 =	vmor vm14, vm15;
	vm6 =	vmor vm7, vm6  }
0x87: {  	vm12 =	veq.f32 v4, $0.0e+00;
	vm11 =	vmor vm6, vm8;
	vm13 =	veq.f32 v8, $0.0e+00  }
0x88: {  	vm2 =	vmor vm2, vm3;
	vm6 =	vmor vm12, vm13;
	vm4 =	vmor vm11, vm4  }
0x89: {  	vm14 =	veq.f32 v62, $0.0e+00;
	vm3 =	vmor vm4, vm6;
	vm15 =	veq.f32 v63, $0.0e+00  }
0x8a: {  	vm4 =	vmor vm14, vm15;
	vm2 =	vmor vm3, vm2  }
0x8b: {  	vm2 =	vmor vm2, vm4  }
0x8c: {  	vm1 =	vmor vm1, vm2  }
0x8d: {  	v3 =	vsel vm1, $0x3F800000, v1  }
0x8e: {  	(xrf0) =	vmax.scan.msk.f32 $0xffff, v3;
	_ =	sdelay $0x5  }
0x8f: {  	v3, _, _ =	vpop (xrf0)  }
0x90: {  	(v2sf) =	vpush v3, $0xF;
	_ =	sdelay $0xe  }
0x91: {  	s31 =	spop (v2sf)  }
0x92: {  	p0 =	sgt.f32 s31, $0.0e+00  }
.Ltmp4:
0x93: {  	_ = 	snop;
	(pc) =	sbr.rel @!p0 .LBB2_12-.Ltmp4, $4  }
0x94: {  	_ = 	snop  }
0x95: {  	_ =	swait.ge [sflag:s24], $0x1000  }
0x96: {  	[sflag:s24] =	ssyncset.done $0x0  }
0x97: {  	[sflag:s24] =	ssyncadd.s32 $0xFFFFF000  }
.Ltmp5:
0x98: {  	(pc) =	sbr.rel .LBB2_7-.Ltmp5, $2  }
0x99: {  	_ =	sdelay $0x2  }
0x9a: {  	s29 =	simm.s32 $0x0  }
.LBB2_11:
0x9b: {  	s29 =	sadd.s32 $0x1, s29  }
0x9c: {  	p0 =	sne.s32 s29, $0x4  }
.Ltmp6:
0x9d: {  	_ = 	snop;
	(pc) =	sbr.rel @!p0 .LBB2_12-.Ltmp6, $1  }
0x9e: {  	_ =	sdelay $0x3  }
.LBB2_7:
0x9f: {  	s30 =	sshll.u32 s29, $0x7  }
0xa0: {  	v3 =	vld [tilespmem:s30+$0x0]  }
0xa1: {  	v4 =	vld [tilespmem:s30+$0x10]  }
0xa2: {  	v5 =	vld [tilespmem:s30+$0x20]  }
0xa3: {  	v6 =	vld [tilespmem:s30+$0x30]  }
0xa4: {  	v7 =	vld [tilespmem:s30+$0x40]  }
0xa5: {  	v8 =	vld [tilespmem:s30+$0x50]  }
0xa6: {  	v9 =	vld [tilespmem:s30+$0x60]  }
0xa7: {  	v10 =	vld [tilespmem:s30+$0x70]  }
0xa8: {  	v11 =	vld [tilespmem:s30+$0x200]  }
0xa9: {  	v12 =	vld [tilespmem:s30+$0x210]  }
0xaa: {  	v13 =	vld [tilespmem:s30+$0x220]  }
0xab: {  	v14 =	vld [tilespmem:s30+$0x230]  }
0xac: {  	v15 =	vld [tilespmem:s30+$0x240]  }
0xad: {  	v16 =	vld [tilespmem:s30+$0x250]  }
0xae: {  	v17 =	vld [tilespmem:s30+$0x260]  }
0xaf: {  	v18 =	vld [tilespmem:s30+$0x270]  }
0xb0: {  	v19 =	vld [tilespmem:s30+$0x400]  }
0xb1: {  	v51 =	vld [tilespmem:s30+$0x420];
	vm1 =	veq.f32 v3, $0.0e+00;
	vm2 =	veq.f32 v4, $0.0e+00;
	vm3 =	veq.f32 v5, $0.0e+00  }
0xb2: {  	v52 =	vld [tilespmem:s30+$0x430];
	vm4 =	veq.f32 v6, $0.0e+00;
	vm5 =	veq.f32 v8, $0.0e+00;
	vm13 =	veq.f32 v10, $0.0e+00  }
0xb3: {  	v53 =	vld [tilespmem:s30+$0x440];
	vm14 =	veq.f32 v11, $0.0e+00;
	vm15 =	veq.f32 v13, $0.0e+00;
	vm8 =	veq.f32 v14, $0.0e+00  }
0xb4: {  	v54 =	vld [tilespmem:s30+$0x450];
	vm9 =	veq.f32 v15, $0.0e+00;
	vm1 =	vmor vm1, vm2;
	vm2 =	veq.f32 v7, $0.0e+00  }
0xb5: {  	v3 =	vld [tilespmem:s30+$0x410];
	vm1 =	vmor vm1, vm3;
	vm3 =	veq.f32 v9, $0.0e+00;
	vm2 =	vmor vm2, vm5  }
0xb6: {  	v55 =	vld [tilespmem:s30+$0x460];
	vm10 =	veq.f32 v17, $0.0e+00;
	vm2 =	vmor vm2, vm3;
	vm3 =	veq.f32 v12, $0.0e+00  }
0xb7: {  	v56 =	vld [tilespmem:s30+$0x470];
	vm11 =	veq.f32 v18, $0.0e+00;
	vm1 =	vmor vm1, vm4;
	vm3 =	vmor vm14, vm3  }
0xb8: {  	v57 =	vld [tilespmem:s30+$0x600];
	vm2 =	vmor vm2, vm13;
	vm13 =	veq.f32 v51, $0.0e+00;
	vm3 =	vmor vm3, vm15  }
0xb9: {  	v59 =	vld [tilespmem:s30+$0x620];
	vm1 =	vmor vm1, vm2;
	vm2 =	vmor vm3, vm8;
	vm3 =	veq.f32 v16, $0.0e+00  }
0xba: {  	v60 =	vld [tilespmem:s30+$0x640];
	vm14 =	veq.f32 v53, $0.0e+00;
	vm12 =	veq.f32 v3, $0.0e+00;
	vm3 =	vmor vm9, vm3  }
0xbb: {  	v3 =	vld [tilespmem:s30+$0x630];
	vm15 =	veq.f32 v54, $0.0e+00;
	vm1 =	vmor vm1, vm2;
	vm2 =	vmor vm3, vm10  }
0xbc: {  	v58 =	vld [tilespmem:s30+$0x610];
	vm8 =	veq.f32 v55, $0.0e+00;
	vm3 =	veq.f32 v19, $0.0e+00;
	vm2 =	vmor vm2, vm11  }
0xbd: {  	v61 =	vld [tilespmem:s30+$0x650];
	vm9 =	veq.f32 v56, $0.0e+00;
	vm1 =	vmor vm1, vm2;
	vm2 =	vmor vm3, vm12  }
0xbe: {  	v62 =	vld [tilespmem:s30+$0x660];
	vm10 =	veq.f32 v57, $0.0e+00;
	vm3 =	veq.f32 v52, $0.0e+00;
	vm2 =	vmor vm2, vm13  }
0xbf: {  	v63 =	vld [tilespmem:s30+$0x670];
	vm11 =	veq.f32 v59, $0.0e+00;
	vm2 =	vmor vm2, vm3;
	vm3 =	vmor vm14, vm15  }
0xc0: {  	vm12 =	veq.f32 v60, $0.0e+00;
	vm13 =	veq.f32 v3, $0.0e+00;
	vm3 =	vmor vm3, vm8  }
0xc1: {  	vm1 =	vmor vm1, vm2;
	vm2 =	veq.f32 v58, $0.0e+00;
	vm3 =	vmor vm3, vm9  }
0xc2: {  	vm2 =	vmor vm10, vm2;
	vm1 =	vmor vm1, vm3;
	vm3 =	veq.f32 v61, $0.0e+00  }
0xc3: {  	vm14 =	veq.f32 v62, $0.0e+00;
	vm2 =	vmor vm2, vm11;
	vm3 =	vmor vm12, vm3  }
0xc4: {  	vm15 =	veq.f32 v63, $0.0e+00;
	vm2 =	vmor vm2, vm13;
	vm3 =	vmor vm3, vm14  }
0xc5: {  	vm1 =	vmor vm1, vm2;
	vm2 =	vmor vm3, vm15  }
0xc6: {  	vm1 =	vmor vm1, vm2  }
0xc7: {  	v3 =	vsel vm1, $0x3F800000, v1  }
0xc8: {  	(xrf0) =	vmax.scan.msk.f32 $0xffff, v3;
	_ =	sdelay $0x5  }
0xc9: {  	v3, _, _ =	vpop (xrf0)  }
0xca: {  	(v2sf) =	vpush v3, $0xF;
	_ =	sdelay $0xe  }
0xcb: {  	s3 =	spop (v2sf)  }
0xcc: {  	p0 =	sgt.f32 s3, $0.0e+00  }
.Ltmp7:
0xcd: {  	_ = 	snop;
	(pc) =	sbr.rel @!p0 .LBB2_11-.Ltmp7, $1  }
0xce: {  	_ =	sdelay $0x3  }
0xcf: {  	[tilespmem:$0x1800] =	vst v1  }
0xd0: {  	[tilespmem:$0x1880] =	vst v1  }
0xd1: {  	[tilespmem:$0x1810] =	vst v1  }
0xd2: {  	[tilespmem:$0x1890] =	vst v1  }
0xd3: {  	[tilespmem:$0x1820] =	vst v1  }
0xd4: {  	[tilespmem:$0x18A0] =	vst v1  }
0xd5: {  	[tilespmem:$0x1830] =	vst v1  }
0xd6: {  	[tilespmem:$0x18B0] =	vst v1  }
0xd7: {  	[tilespmem:$0x1840] =	vst v1  }
0xd8: {  	[tilespmem:$0x18C0] =	vst v1  }
0xd9: {  	[tilespmem:$0x1850] =	vst v1  }
0xda: {  	[tilespmem:$0x18D0] =	vst v1  }
0xdb: {  	[tilespmem:$0x1860] =	vst v1  }
0xdc: {  	[tilespmem:$0x18E0] =	vst v1  }
0xdd: {  	[tilespmem:$0x1870] =	vst v1  }
0xde: {  	[tilespmem:$0x18F0] =	vst v1  }
0xdf: {  	[tilespmem:$0x1900] =	vst v1  }
0xe0: {  	[tilespmem:$0x1980] =	vst v1  }
0xe1: {  	[tilespmem:$0x1910] =	vst v1  }
0xe2: {  	[tilespmem:$0x1990] =	vst v1  }
0xe3: {  	[tilespmem:$0x1920] =	vst v1  }
0xe4: {  	[tilespmem:$0x19A0] =	vst v1  }
0xe5: {  	[tilespmem:$0x1930] =	vst v1  }
0xe6: {  	[tilespmem:$0x19B0] =	vst v1  }
0xe7: {  	[tilespmem:$0x1940] =	vst v1  }
0xe8: {  	[tilespmem:$0x19C0] =	vst v1  }
0xe9: {  	[tilespmem:$0x1950] =	vst v1  }
0xea: {  	[tilespmem:$0x19D0] =	vst v1  }
0xeb: {  	[tilespmem:$0x1960] =	vst v1  }
0xec: {  	[tilespmem:$0x19E0] =	vst v1  }
0xed: {  	[tilespmem:$0x1970] =	vst v1  }
0xee: {  	[tilespmem:$0x19F0] =	vst v1  }
0xef: {  	[tilespmem:$0x1A00] =	vst v1  }
0xf0: {  	[tilespmem:$0x1A80] =	vst v1  }
0xf1: {  	[tilespmem:$0x1A10] =	vst v1  }
0xf2: {  	[tilespmem:$0x1A90] =	vst v1  }
0xf3: {  	[tilespmem:$0x1A20] =	vst v1  }
0xf4: {  	[tilespmem:$0x1AA0] =	vst v1  }
0xf5: {  	[tilespmem:$0x1A30] =	vst v1  }
0xf6: {  	[tilespmem:$0x1AB0] =	vst v1  }
0xf7: {  	[tilespmem:$0x1A40] =	vst v1  }
0xf8: {  	[tilespmem:$0x1AC0] =	vst v1  }
0xf9: {  	[tilespmem:$0x1A50] =	vst v1  }
0xfa: {  	[tilespmem:$0x1AD0] =	vst v1  }
0xfb: {  	[tilespmem:$0x1A60] =	vst v1  }
0xfc: {  	[tilespmem:$0x1AE0] =	vst v1  }
0xfd: {  	[tilespmem:$0x1A70] =	vst v1  }
0xfe: {  	[tilespmem:$0x1AF0] =	vst v1  }
0xff: {  	[tilespmem:$0x1B00] =	vst v1  }
0x100: {  	[tilespmem:$0x1B80] =	vst v1  }
0x101: {  	[tilespmem:$0x1B10] =	vst v1  }
0x102: {  	[tilespmem:$0x1B90] =	vst v1  }
0x103: {  	[tilespmem:$0x1B20] =	vst v1  }
0x104: {  	[tilespmem:$0x1BA0] =	vst v1  }
0x105: {  	[tilespmem:$0x1B30] =	vst v1  }
0x106: {  	[tilespmem:$0x1BB0] =	vst v1  }
0x107: {  	[tilespmem:$0x1B40] =	vst v1  }
0x108: {  	[tilespmem:$0x1BC0] =	vst v1  }
0x109: {  	[tilespmem:$0x1B50] =	vst v1  }
0x10a: {  	[tilespmem:$0x1BD0] =	vst v1  }
0x10b: {  	[tilespmem:$0x1B60] =	vst v1;
	s3 =	simm.s32 $0x0  }
0x10c: {  	[tilespmem:$0x1BE0] =	vst v1;
	s30 =	sand.u32 $0x3FFFFF80, s30;
	s6 =	sand.u32 $0x600, s3  }
0x10d: {  	[tilespmem:$0x1B70] =	vst v1;
	s7 =	sand.u32 $0x70, s3;
	s6 =	sadd.s32 s6, s30  }
0x10e: {  	[tilespmem:$0x1BF0] =	vst v1;
	s6 =	sadd.s32 s7, s6  }
0x10f: {  	v3 =	vld [tilespmem:s6+$0x0];
	_ =	sdelay $0x4  }
0x110: {  	vm1 =	vlt.f32 v3, $0.0e+00;
	vm2 =	vgt.f32 v3, $0.0e+00  }
0x111: {  	vm1 =	vmor vm2, vm1  }
0x112: {  	v4 =	vsel vm1, $0x1, v2  }
0x113: {  	(xrf0) =	vadd.scan.msk.s32 $0xffff, v4;
	_ =	sdelay $0x5  }
0x114: {  	v4 =	vimm.s32 $0xFFFFFFFF;
	v5, _, _ =	vpop (xrf0)  }
0x115: {  	v5 =	vadd.s32 v4, v5  }
0x116: {  	v6 =	vshll.u32 v5, $0x1  }
0x117: {  	v5 =	vand.u32 $0x7F, v5;
	v6 =	vand.u32 $0xFFFFFF00, v6  }
0x118: {  	v7 =	vor.u32 v5, v6  }
0x119: {  	s3 =	scvt.s32.f32 s3  }
0x11a: {  	v5 =	vmpcnt.ones.xlane vm1;
	v6 =	vor.u32 $0x80, v7  }
0x11b: {  	v8 =	vadd.f32 s3, v0;
	s3 =	simm.s32 $0x40  }
0x11c: {  	s31 =	simm.s32 $0x10;
	s8 =	sand.u32 $0x600, s3;
	v5 =	vadd.s32 v4, v5  }
0x11d: {  	s7 =	sand.u32 $0x70, s31;
	s6 =	simm.s32 $0x20;
	s8 =	sadd.s32 s8, s30;
	v4 =	vmov v5;
	[tilespmem:v7+s25+$0x0] =	vst.idx.msk vm1, v8  }
.LBB2_9:
0x11e: {  	p0 =	sne.s32 s6, $0x1F0  }
0x11f: {  	s7 =	sadd.s32 s7, s8;
	[tilespmem:v6+s25+$0x0] =	vst.idx.msk vm1, v3;
	s8 =	smov.u32 s6;
	s6 =	sadd.s32 $0x10, s6  }
0x120: {  	v3 =	vld [tilespmem:s7+$0x0];
	_ =	sdelay $0x4  }
0x121: {  	vm1 =	vlt.f32 v3, $0.0e+00;
	vm2 =	vgt.f32 v3, $0.0e+00  }
0x122: {  	vm1 =	vmor vm2, vm1  }
0x123: {  	v6 =	vsel vm1, $0x1, v2;
	v7 =	vmpcnt.ones.xlane vm1  }
0x124: {  	(xrf0) =	vadd.scan.msk.s32 $0xffff, v6  }
0x125: {  	v5 =	vadd.s32 v5, v7;
	_ =	sdelay $0x4  }
0x126: {  	v6, _, _ =	vpop (xrf0)  }
0x127: {  	v6 =	vadd.s32 v4, v6;
	v4 =	vmov v5  }
0x128: {  	v7 =	vshll.u32 v6, $0x1  }
0x129: {  	v6 =	vand.u32 $0x7F, v6;
	v7 =	vand.u32 $0xFFFFFF00, v7  }
0x12a: {  	v7 =	vor.u32 v6, v7  }
.Ltmp8:
0x12b: {  	s7 =	scvt.s32.f32 s31;
	s31 =	smov.u32 s8;
	v6 =	vor.u32 $0x80, v7;
	(pc) =	sbr.rel @p0 .LBB2_9-.Ltmp8, $4  }
0x12c: {  	_ = 	snop  }
0x12d: {  	s3 =	sadd.s32 $0x40, s3;
	v8 =	vadd.f32 s7, v0  }
0x12e: {  	s8 =	sand.u32 $0x600, s3  }
0x12f: {  	s8 =	sadd.s32 s8, s30;
	s7 =	sand.u32 $0x70, s31;
	[tilespmem:v7+s25+$0x0] =	vst.idx.msk vm1, v8  }
0x130: {  	_ =	sdelay $0x4  }
0x131: {  	s3 =	sadd.s32 s7, s8;
	[tilespmem:v6+s25+$0x0] =	vst.idx.msk vm1, v3  }
0x132: {  	v3 =	vld [tilespmem:s3+$0x0];
	_ =	sdelay $0x4  }
0x133: {  	vm1 =	vlt.f32 v3, $0.0e+00;
	vm2 =	vgt.f32 v3, $0.0e+00  }
0x134: {  	vm1 =	vmor vm2, vm1  }
0x135: {  	v5 =	vsel vm1, $0x1, v2  }
0x136: {  	(xrf0) =	vadd.scan.msk.s32 $0xffff, v5;
	_ =	sdelay $0x5  }
0x137: {  	v5, _, _ =	vpop (xrf0)  }
0x138: {  	v4 =	vadd.s32 v4, v5  }
0x139: {  	v5 =	vshll.u32 v4, $0x1  }
0x13a: {  	v4 =	vand.u32 $0x7F, v4;
	v5 =	vand.u32 $0xFFFFFF00, v5  }
0x13b: {  	v4 =	vor.u32 v4, v5  }
0x13c: {  	s30 =	scvt.s32.f32 s31;
	v5 =	vor.u32 $0x80, v4;
	_ =	sdelay $0x1  }
0x13d: {  	v63 =	vadd.f32 s30, v0  }
0x13e: {  	s31 =	sadd.s32 s4, s29  }
0x13f: {  	s3 =	sshll.u32 s31, $0x7;
	[tilespmem:v4+s25+$0x0] =	vst.idx.msk vm1, v63  }
.Ltmp9:
0x140: {  	s3 =	sadd.s32 s1, s3;
	[tilespmem:v5+s25+$0x0] =	vst.idx.msk vm1, v3;
	(pc) =	sbr.rel .LBB2_11-.Ltmp9, $4  }
0x141: {  	[hbm4b:s3+s2] =	stream.linear.scatter [tilespmem:s25], [sflag:$0x4], $0x400, $0x38;
	[tilespmem:$0x1C00] =	vst v63  }
0x142: {  	_ =	swait.ge [sflag:s26], $0x400  }
0x143: {  	[sflag:s26] =	ssyncset.done $0x0  }
0x144: {  	[sflag:s26] =	ssyncadd.s32 $0xFFFFFC00  }
.LBB2_13:
0x145: {  	_ =	sfence.sel $0x180000  }
0x146: {  	[bflag:$0x0] =	sbarrier.arrive $0xFFFF  }
0x147: {  	_ =	strace $0x90000047  }
0x148: {  	s0 =	stileid.u32;
	[bflag:$0x2] =	sbarrier.arrive $0xFFFF  }
0x149: {  	p0 =	sne.s32 s0, $0x0;
	s0 =	rddreg [dreg:$0x2]  }
0x14a: {  	s0 =	sadd.s32 @!p0 $0x100000, s0  }
0x14b: {  	[sflag:s0] =	ssyncadd.tile.s32 @!p0 $0x1;
	_ =	shalt  }
.Lfunc_end2:
_tile_overlayer_lowered:
.L_overlay_start_2:
0x14c: {  	(tag) =	ssettag $0x2  }
0x14d: {  	s0 =	rddreg [dreg:$0x0];
	s2 =	stileid.u32  }
0x14e: {  	s1 =	rddreg [dreg:$0x1];
	p0 =	sne.s32 s2, $0x0  }
0x14f: {  	s3 =	rddreg [dreg:$0x2];
	[bflag:$0x3] =	sbarrier.arrive $0xFFFF;
	s2 =	simm.s32 @!p0 $0x1C04  }
0x150: {  	[timem:s3], [sflag:s2] =	dma.local @!p0 [hbm:s0], s1  }
0x151: {  	s0 =	simm.s32 @!p0 $0x4  }
0x152: {  	_ =	swait.ge @!p0 [sflag:s0], s1  }
0x153: {  	s1 =	ssub.s32 @!p0 $0x0, s1;
	[sflag:s0] =	ssyncset.done @!p0 $0x0  }
0x154: {  	[sflag:s0] =	ssyncadd.s32 @!p0 s1  }
0x155: {  	[bflag:$0x3] =	sbarrier.arrive $0xFFFF  }
0x156: {  	_ =	shalt  }

</sc_bundles>
